<compile_context>
chip_gen: v7x
topology: tpu7x:2x2x1
jax: 0.10.2.dev20260603
libtpu: 0.0.44.dev20260713+nightly
codegen_flags: <defaults>
</compile_context>

<pallas_src>
import functools
import math

import numpy as np
import jax
import jax.numpy as jnp
from jax import lax
from jax.experimental import pallas as pl
from jax.experimental.pallas import tpu as pltpu
from jax.experimental.pallas import tpu_sc as plsc

VOCAB = 1000000
D = 64
B = 4096
L = 200

NC = 2
NS = 16
NW = NC * NS
SEQ_PER_W = B // NW
NBUF = 4

SCALE = 2.0 * math.sqrt(D)


def _make_pe() -> np.ndarray:
    position = np.arange(0, L, dtype=np.float32)[:, None]
    div_even = np.power(10000.0, np.arange(0, D, 2, dtype=np.float32) / D)
    div_odd = np.power(10000.0, np.arange(1, D, 2, dtype=np.float32) / D)
    pe = np.zeros((L, D), dtype=np.float32)
    pe[:, 0::2] = np.sin(position * div_even)
    pe[:, 1::2] = np.cos(position * div_odd)
    return pe


_PE = _make_pe()


@functools.cache
def _build():
    mesh = plsc.VectorSubcoreMesh(
        core_axis_name="c", subcore_axis_name="s", num_cores=NC, num_subcores=NS
    )

    @functools.partial(
        pl.kernel,
        mesh=mesh,
        out_type=jax.ShapeDtypeStruct((B, L, D), jnp.float32),
        scratch_types=[
            [pltpu.VMEM((L,), jnp.int32) for _ in range(NBUF)],
            [pltpu.VMEM((L, D), jnp.float32) for _ in range(NBUF)],
            pltpu.VMEM((L, D), jnp.float32),
            [pltpu.SemaphoreType.DMA for _ in range(NBUF)],
            [pltpu.SemaphoreType.DMA for _ in range(NBUF)],
            [pltpu.SemaphoreType.DMA for _ in range(NBUF)],
        ],
        compiler_params=pltpu.CompilerParams(use_tc_tiling_on_sc=False),
    )
    def emb(x_hbm, table_hbm, pe_hbm, out_hbm, idx_v, rows_v, pe_v, isem, gsem, ssem):
        wid = lax.axis_index("s") * NC + lax.axis_index("c")
        base = wid * SEQ_PER_W
        pltpu.sync_copy(pe_hbm, pe_v)

        def idx_start(b, k):
            pltpu.async_copy(x_hbm.at[base + k], idx_v[b], isem[b])

        def idx_wait(b):
            pltpu.make_async_copy(x_hbm.at[base], idx_v[b], isem[b]).wait()

        def gather_start(b, k):
            pltpu.async_copy(table_hbm.at[idx_v[b]], rows_v[b], gsem[b])

        def gather_wait(b):
            pltpu.make_async_copy(
                table_hbm.at[idx_v[b]], rows_v[b], gsem[b]
            ).wait()

        def store_wait(b):
            pltpu.make_async_copy(rows_v[b], out_hbm.at[base], ssem[b]).wait()

        idx_start(0, 0)
        idx_start(1, 1)
        idx_wait(0)
        gather_start(0, 0)

        def body(i, carry):
            for j in range(NBUF):
                k = i * NBUF + j
                bn = (j + 1) % NBUF
                bi = (j + 2) % NBUF

                @pl.when(k + 2 < SEQ_PER_W)
                def _():
                    idx_start(bi, k + 2)

                @pl.when(k + 1 < SEQ_PER_W)
                def _():
                    idx_wait(bn)

                    @pl.when(k >= NBUF - 1)
                    def _():
                        store_wait(bn)

                    gather_start(bn, k + 1)

                gather_wait(j)

                def per_r(r4, c):
                    for ri in range(4):
                        r = r4 * 4 + ri
                        for kk in range(D // 16):
                            sl = pl.ds(16 * kk, 16)
                            rows_v[j][r, sl] = (
                                rows_v[j][r, sl] * SCALE + pe_v[r, sl]
                            )
                    return c

                lax.fori_loop(0, L // 4, per_r, 0)
                pltpu.async_copy(rows_v[j], out_hbm.at[base + k], ssem[j])
            return carry

        lax.fori_loop(0, SEQ_PER_W // NBUF, body, 0)

        for j in range(NBUF):
            store_wait(j)

    return emb


def kernel(x, table):
    return _build()(x, table, _PE)

# --- scband reference (transcript-rebuilt; emitter-appended) ---
"""Pipeline reference for scband-embeddings-35167192220043 (READ-ONLY COPY).

The authoritative reference and input builder live on the scoring server;
editing this copy changes nothing except your own understanding.
"""

import jax, jax.numpy as jnp
import numpy as np
import math

VOCAB = 1000000
EMBED_DIM = 64
MAX_LEN = 5000
B = 4096
L = 200


def make_pe():
    # Faithful translation of PositionalEncoding.__init__ (including the
    # positive-exponent div_term exactly as in the source module).
    position = np.arange(0, MAX_LEN, dtype=np.float32)[:, None]
    div_term_even = np.power(10000.0, np.arange(0, EMBED_DIM, 2, dtype=np.float32) / EMBED_DIM)
    div_term_odd = np.power(10000.0, np.arange(1, EMBED_DIM, 2, dtype=np.float32) / EMBED_DIM)
    pe = np.zeros((MAX_LEN, EMBED_DIM), dtype=np.float32)
    pe[:, 0::2] = np.sin(position * div_term_even)
    pe[:, 1::2] = np.cos(position * div_term_odd)
    return jnp.asarray(pe[None, :, :])  # [1, MAX_LEN, EMBED_DIM]


def setup_inputs(seed: int = 0) -> dict:
    key = jax.random.key(seed)
    k1, k2 = jax.random.split(key)
    x = jax.random.randint(k1, (B, L), 0, VOCAB, dtype=jnp.int64 if jax.config.jax_enable_x64 else jnp.int32)
    # nn.Embedding default init: N(0, 1)
    table = jax.random.normal(k2, (VOCAB, EMBED_DIM), dtype=jnp.float32)
    return {"x": x, "table": table}


def reference(x, table):
    pe = make_pe()
    # Embeddings.forward: embed = lut(x) * sqrt(embed_dim)
    embed = jnp.take(table, x, axis=0) * math.sqrt(EMBED_DIM)
    # pos_encode(embed) = embed + pe[:, :L]; module returns embed + pos_encode(embed)
    return embed + (embed + pe[:, : x.shape[1]])

if __name__ == "__main__":
    import jax
    _d = setup_inputs()
    print(jax.jit(kernel)(*tuple(_d.values())))

</pallas_src>

<mosaic_0001>
#map = affine_map<(d0, d1) -> (0, 0)>
#map1 = affine_map<(d0, d1) -> (0, 0, 0)>
module attributes {stable_mosaic.version = 14 : i64} {
  func.func @emb(%arg0: i32, %arg1: i32, %arg2: memref<4096x200xi32, #tpu.memory_space<hbm>>, %arg3: memref<1000000x64xf32, #tpu.memory_space<hbm>>, %arg4: memref<200x64xf32, #tpu.memory_space<hbm>>, %arg5: memref<4096x200x64xf32, #tpu.memory_space<hbm>>, %arg6: memref<200xi32, #tpu.memory_space<vmem>>, %arg7: memref<200xi32, #tpu.memory_space<vmem>>, %arg8: memref<200xi32, #tpu.memory_space<vmem>>, %arg9: memref<200xi32, #tpu.memory_space<vmem>>, %arg10: memref<200x64xf32, #tpu.memory_space<vmem>>, %arg11: memref<200x64xf32, #tpu.memory_space<vmem>>, %arg12: memref<200x64xf32, #tpu.memory_space<vmem>>, %arg13: memref<200x64xf32, #tpu.memory_space<vmem>>, %arg14: memref<200x64xf32, #tpu.memory_space<vmem>>, %arg15: memref<!tpu.dma_semaphore, #tpu.memory_space<semaphore_mem>>, %arg16: memref<!tpu.dma_semaphore, #tpu.memory_space<semaphore_mem>>, %arg17: memref<!tpu.dma_semaphore, #tpu.memory_space<semaphore_mem>>, %arg18: memref<!tpu.dma_semaphore, #tpu.memory_space<semaphore_mem>>, %arg19: memref<!tpu.dma_semaphore, #tpu.memory_space<semaphore_mem>>, %arg20: memref<!tpu.dma_semaphore, #tpu.memory_space<semaphore_mem>>, %arg21: memref<!tpu.dma_semaphore, #tpu.memory_space<semaphore_mem>>, %arg22: memref<!tpu.dma_semaphore, #tpu.memory_space<semaphore_mem>>, %arg23: memref<!tpu.dma_semaphore, #tpu.memory_space<semaphore_mem>>, %arg24: memref<!tpu.dma_semaphore, #tpu.memory_space<semaphore_mem>>, %arg25: memref<!tpu.dma_semaphore, #tpu.memory_space<semaphore_mem>>, %arg26: memref<!tpu.dma_semaphore, #tpu.memory_space<semaphore_mem>>) attributes {dimension_semantics = [#tpu.dimension_semantics<core_parallel>, #tpu.dimension_semantics<subcore_parallel>], iteration_bounds = array<i64: 2, 16>, scalar_prefetch = 0 : i64, scratch_operands = 21 : i64, tpu.core_type = #tpu.core_type<sc_vector_subcore>, window_params = [{transform_indices = #map}, {transform_indices = #map}, {transform_indices = #map}, {transform_indices = #map1}]} {
    %mul3A = arith.constant 2 : i32
    %mul3A_0 = arith.muli %arg1, %mul3A : i32
    %add3A = arith.addi %mul3A_0, %arg0 : i32
    %mul3A_1 = arith.constant 128 : i32
    %mul3A_2 = arith.muli %add3A, %mul3A_1 : i32
    "tpu.region"() ({
      %run_scoped3A = tpu.sem_alloc : memref<!tpu.dma_semaphore, #tpu.memory_space<semaphore_mem>>
      tpu.enqueue_dma source(%arg4 : memref<200x64xf32, #tpu.memory_space<hbm>>) target(%arg14 : memref<200x64xf32, #tpu.memory_space<vmem>>) target_semaphore(%run_scoped3A : memref<!tpu.dma_semaphore, #tpu.memory_space<semaphore_mem>>)
      tpu.wait_dma2 semaphore(%run_scoped3A : memref<!tpu.dma_semaphore, #tpu.memory_space<semaphore_mem>>) src(%arg4 : memref<200x64xf32, #tpu.memory_space<hbm>>) dst(%arg14 : memref<200x64xf32, #tpu.memory_space<vmem>>)
      tpu.yield
    }) : () -> ()
    %add3A_3 = arith.constant 0 : i32
    %add3A_4 = arith.addi %mul3A_2, %add3A_3 : i32
    %dma_start3A = arith.constant 0 : i32
    %dma_start3A_5 = tpu.memref_slice %arg2[%add3A_4, %dma_start3A] : memref<4096x200xi32, #tpu.memory_space<hbm>> -> memref<1x200xi32, #tpu.memory_space<hbm>>
    %dma_start3A_6 = tpu.memref_squeeze %dma_start3A_5 : memref<1x200xi32, #tpu.memory_space<hbm>> -> memref<200xi32, #tpu.memory_space<hbm>>
    %dma_start3A_7 = arith.constant 0 : i32
    %dma_start3A_8 = tpu.memref_slice %arg2[%add3A_4, %dma_start3A_7] : memref<4096x200xi32, #tpu.memory_space<hbm>> -> memref<1x200xi32, #tpu.memory_space<hbm>>
    %dma_start3A_9 = tpu.memref_squeeze %dma_start3A_8 : memref<1x200xi32, #tpu.memory_space<hbm>> -> memref<200xi32, #tpu.memory_space<hbm>>
    tpu.enqueue_dma source(%dma_start3A_9 : memref<200xi32, #tpu.memory_space<hbm>>) target(%arg6 : memref<200xi32, #tpu.memory_space<vmem>>) target_semaphore(%arg15 : memref<!tpu.dma_semaphore, #tpu.memory_space<semaphore_mem>>)
    %add3A_10 = arith.constant 1 : i32
    %add3A_11 = arith.addi %mul3A_2, %add3A_10 : i32
    %dma_start3A_12 = arith.constant 0 : i32
    %dma_start3A_13 = tpu.memref_slice %arg2[%add3A_11, %dma_start3A_12] : memref<4096x200xi32, #tpu.memory_space<hbm>> -> memref<1x200xi32, #tpu.memory_space<hbm>>
    %dma_start3A_14 = tpu.memref_squeeze %dma_start3A_13 : memref<1x200xi32, #tpu.memory_space<hbm>> -> memref<200xi32, #tpu.memory_space<hbm>>
    %dma_start3A_15 = arith.constant 0 : i32
    %dma_start3A_16 = tpu.memref_slice %arg2[%add3A_11, %dma_start3A_15] : memref<4096x200xi32, #tpu.memory_space<hbm>> -> memref<1x200xi32, #tpu.memory_space<hbm>>
    %dma_start3A_17 = tpu.memref_squeeze %dma_start3A_16 : memref<1x200xi32, #tpu.memory_space<hbm>> -> memref<200xi32, #tpu.memory_space<hbm>>
    tpu.enqueue_dma source(%dma_start3A_17 : memref<200xi32, #tpu.memory_space<hbm>>) target(%arg7 : memref<200xi32, #tpu.memory_space<vmem>>) target_semaphore(%arg16 : memref<!tpu.dma_semaphore, #tpu.memory_space<semaphore_mem>>)
    %dma_wait3A = arith.constant 0 : i32
    %dma_wait3A_18 = tpu.memref_slice %arg2[%mul3A_2, %dma_wait3A] : memref<4096x200xi32, #tpu.memory_space<hbm>> -> memref<1x200xi32, #tpu.memory_space<hbm>>
    %dma_wait3A_19 = tpu.memref_squeeze %dma_wait3A_18 : memref<1x200xi32, #tpu.memory_space<hbm>> -> memref<200xi32, #tpu.memory_space<hbm>>
    %dma_wait3A_20 = arith.constant 0 : i32
    %dma_wait3A_21 = tpu.memref_slice %arg2[%mul3A_2, %dma_wait3A_20] : memref<4096x200xi32, #tpu.memory_space<hbm>> -> memref<1x200xi32, #tpu.memory_space<hbm>>
    %dma_wait3A_22 = tpu.memref_squeeze %dma_wait3A_21 : memref<1x200xi32, #tpu.memory_space<hbm>> -> memref<200xi32, #tpu.memory_space<hbm>>
    tpu.wait_dma2 semaphore(%arg15 : memref<!tpu.dma_semaphore, #tpu.memory_space<semaphore_mem>>) src(%dma_wait3A_22 : memref<200xi32, #tpu.memory_space<hbm>>) dst(%arg6 : memref<200xi32, #tpu.memory_space<vmem>>)
    %dma_start3A_23 = arith.constant 0 : i32
    %dma_start3A_24 = arith.constant 0 : i32
    %dma_start3A_25 = tpu.memref_slice %arg3[%dma_start3A_23, %dma_start3A_24] : memref<1000000x64xf32, #tpu.memory_space<hbm>> -> memref<1000000x64xf32, #tpu.memory_space<hbm>>
    tpu.enqueue_indirect_dma source(%dma_start3A_25 : memref<1000000x64xf32, #tpu.memory_space<hbm>>) target(%arg10 : memref<200x64xf32, #tpu.memory_space<vmem>>) offsets(%arg6 : memref<200xi32, #tpu.memory_space<vmem>>) semaphore(%arg19 : memref<!tpu.dma_semaphore, #tpu.memory_space<semaphore_mem>>)
    %scan3A = arith.constant 0 : i32
    %scan3A_26 = arith.constant 0 : i32
    %scan3A_27 = arith.constant 32 : i32
    %scan3A_28 = arith.addi %scan3A_26, %scan3A_27 : i32
    %scan3A_29 = arith.constant 1 : i32
    scf.for %scan3A_63 = %scan3A_26 to %scan3A_28 step %scan3A_29  : i32 {
      %mul3A_64 = arith.constant 4 : i32
      %mul3A_65 = arith.muli %scan3A_63, %mul3A_64 : i32
      %add3A_66 = arith.constant 0 : i32
      %add3A_67 = arith.addi %mul3A_65, %add3A_66 : i32
      %add3A_68 = arith.constant 2 : i32
      %add3A_69 = arith.addi %add3A_67, %add3A_68 : i32
      %lt3A = arith.constant 128 : i32
      %lt3A_70 = arith.cmpi slt, %add3A_69, %lt3A : i32
      %convert_element_type3A = arith.extui %lt3A_70 : i1 to i32
      %cond3A = arith.constant 0 : i32
      %cond3A_71 = arith.cmpi ne, %convert_element_type3A, %cond3A : i32
      scf.if %cond3A_71 {
        %add3A_205 = arith.constant 2 : i32
        %add3A_206 = arith.addi %add3A_67, %add3A_205 : i32
        %add3A_207 = arith.addi %mul3A_2, %add3A_206 : i32
        %dma_start3A_208 = arith.constant 0 : i32
        %dma_start3A_209 = tpu.memref_slice %arg2[%add3A_207, %dma_start3A_208] : memref<4096x200xi32, #tpu.memory_space<hbm>> -> memref<1x200xi32, #tpu.memory_space<hbm>>
        %dma_start3A_210 = tpu.memref_squeeze %dma_start3A_209 : memref<1x200xi32, #tpu.memory_space<hbm>> -> memref<200xi32, #tpu.memory_space<hbm>>
        %dma_start3A_211 = arith.constant 0 : i32
        %dma_start3A_212 = tpu.memref_slice %arg2[%add3A_207, %dma_start3A_211] : memref<4096x200xi32, #tpu.memory_space<hbm>> -> memref<1x200xi32, #tpu.memory_space<hbm>>
        %dma_start3A_213 = tpu.memref_squeeze %dma_start3A_212 : memref<1x200xi32, #tpu.memory_space<hbm>> -> memref<200xi32, #tpu.memory_space<hbm>>
        tpu.enqueue_dma source(%dma_start3A_213 : memref<200xi32, #tpu.memory_space<hbm>>) target(%arg8 : memref<200xi32, #tpu.memory_space<vmem>>) target_semaphore(%arg17 : memref<!tpu.dma_semaphore, #tpu.memory_space<semaphore_mem>>)
      } else {
      }
      %add3A_72 = arith.constant 1 : i32
      %add3A_73 = arith.addi %add3A_67, %add3A_72 : i32
      %lt3A_74 = arith.constant 128 : i32
      %lt3A_75 = arith.cmpi slt, %add3A_73, %lt3A_74 : i32
      %convert_element_type3A_76 = arith.extui %lt3A_75 : i1 to i32
      %cond3A_77 = arith.constant 0 : i32
      %cond3A_78 = arith.cmpi ne, %convert_element_type3A_76, %cond3A_77 : i32
      scf.if %cond3A_78 {
        %dma_wait3A_205 = arith.constant 0 : i32
        %dma_wait3A_206 = tpu.memref_slice %arg2[%mul3A_2, %dma_wait3A_205] : memref<4096x200xi32, #tpu.memory_space<hbm>> -> memref<1x200xi32, #tpu.memory_space<hbm>>
        %dma_wait3A_207 = tpu.memref_squeeze %dma_wait3A_206 : memref<1x200xi32, #tpu.memory_space<hbm>> -> memref<200xi32, #tpu.memory_space<hbm>>
        %dma_wait3A_208 = arith.constant 0 : i32
        %dma_wait3A_209 = tpu.memref_slice %arg2[%mul3A_2, %dma_wait3A_208] : memref<4096x200xi32, #tpu.memory_space<hbm>> -> memref<1x200xi32, #tpu.memory_space<hbm>>
        %dma_wait3A_210 = tpu.memref_squeeze %dma_wait3A_209 : memref<1x200xi32, #tpu.memory_space<hbm>> -> memref<200xi32, #tpu.memory_space<hbm>>
        tpu.wait_dma2 semaphore(%arg16 : memref<!tpu.dma_semaphore, #tpu.memory_space<semaphore_mem>>) src(%dma_wait3A_210 : memref<200xi32, #tpu.memory_space<hbm>>) dst(%arg7 : memref<200xi32, #tpu.memory_space<vmem>>)
        %ge3A = arith.constant 3 : i32
        %ge3A_211 = arith.cmpi sge, %add3A_67, %ge3A : i32
        %convert_element_type3A_212 = arith.extui %ge3A_211 : i1 to i32
        %cond3A_213 = arith.constant 0 : i32
        %cond3A_214 = arith.cmpi ne, %convert_element_type3A_212, %cond3A_213 : i32
        scf.if %cond3A_214 {
          %dma_wait3A_220 = arith.constant 0 : i32
          %dma_wait3A_221 = arith.constant 0 : i32
          %dma_wait3A_222 = tpu.memref_slice %arg5[%mul3A_2, %dma_wait3A_220, %dma_wait3A_221] : memref<4096x200x64xf32, #tpu.memory_space<hbm>> -> memref<1x200x64xf32, #tpu.memory_space<hbm>>
          %dma_wait3A_223 = tpu.memref_squeeze %dma_wait3A_222 : memref<1x200x64xf32, #tpu.memory_space<hbm>> -> memref<200x64xf32, #tpu.memory_space<hbm>>
          %dma_wait3A_224 = arith.constant 0 : i32
          %dma_wait3A_225 = arith.constant 0 : i32
          %dma_wait3A_226 = tpu.memref_slice %arg5[%mul3A_2, %dma_wait3A_224, %dma_wait3A_225] : memref<4096x200x64xf32, #tpu.memory_space<hbm>> -> memref<1x200x64xf32, #tpu.memory_space<hbm>>
          %dma_wait3A_227 = tpu.memref_squeeze %dma_wait3A_226 : memref<1x200x64xf32, #tpu.memory_space<hbm>> -> memref<200x64xf32, #tpu.memory_space<hbm>>
          tpu.wait_dma2 semaphore(%arg24 : memref<!tpu.dma_semaphore, #tpu.memory_space<semaphore_mem>>) src(%arg11 : memref<200x64xf32, #tpu.memory_space<vmem>>) dst(%dma_wait3A_227 : memref<200x64xf32, #tpu.memory_space<hbm>>)
        } else {
        }
        %add3A_215 = arith.constant 1 : i32
        %add3A_216 = arith.addi %add3A_67, %add3A_215 : i32
        %dma_start3A_217 = arith.constant 0 : i32
        %dma_start3A_218 = arith.constant 0 : i32
        %dma_start3A_219 = tpu.memref_slice %arg3[%dma_start3A_217, %dma_start3A_218] : memref<1000000x64xf32, #tpu.memory_space<hbm>> -> memref<1000000x64xf32, #tpu.memory_space<hbm>>
        tpu.enqueue_indirect_dma source(%dma_start3A_219 : memref<1000000x64xf32, #tpu.memory_space<hbm>>) target(%arg11 : memref<200x64xf32, #tpu.memory_space<vmem>>) offsets(%arg7 : memref<200xi32, #tpu.memory_space<vmem>>) semaphore(%arg20 : memref<!tpu.dma_semaphore, #tpu.memory_space<semaphore_mem>>)
      } else {
      }
      %dma_wait3A_79 = arith.constant 0 : i32
      %dma_wait3A_80 = arith.constant 0 : i32
      %dma_wait3A_81 = tpu.memref_slice %arg3[%dma_wait3A_79, %dma_wait3A_80] : memref<1000000x64xf32, #tpu.memory_space<hbm>> -> memref<1000000x64xf32, #tpu.memory_space<hbm>>
      tpu.wait_indirect_dma semaphore(%arg19 : memref<!tpu.dma_semaphore, #tpu.memory_space<semaphore_mem>>) src(%dma_wait3A_81 : memref<1000000x64xf32, #tpu.memory_space<hbm>>) dst(%arg10 : memref<200x64xf32, #tpu.memory_space<vmem>>)
      %scan3A_82 = arith.constant 0 : i32
      %scan3A_83 = arith.constant 0 : i32
      %scan3A_84 = arith.constant 50 : i32
      %scan3A_85 = arith.addi %scan3A_83, %scan3A_84 : i32
      %scan3A_86 = arith.constant 1 : i32
      scf.for %scan3A_205 = %scan3A_83 to %scan3A_85 step %scan3A_86  : i32 {
        %mul3A_206 = arith.constant 4 : i32
        %mul3A_207 = arith.muli %scan3A_205, %mul3A_206 : i32
        %add3A_208 = arith.constant 0 : i32
        %add3A_209 = arith.addi %mul3A_207, %add3A_208 : i32
        %get3A = arith.index_cast %add3A_209 : i32 to index
        %get3A_210 = arith.constant 0 : index
        %get3A_211 = tpu.vector_load %arg10[%get3A, %get3A_210] {strides = array<i32>} : memref<200x64xf32, #tpu.memory_space<vmem>>, vector<1x16xf32>,
        %get3A_212 = vector.shape_cast %get3A_211 : vector<1x16xf32> to vector<16xf32>
        %mul3A_213 = arith.constant 1.600000e+01 : f32
        %mul3A_214 = vector.broadcast %mul3A_213 : f32 to vector<16xf32>
        %mul3A_215 = arith.mulf %get3A_212, %mul3A_214 : vector<16xf32>
        %get3A_216 = arith.index_cast %add3A_209 : i32 to index
        %get3A_217 = arith.constant 0 : index
        %get3A_218 = tpu.vector_load %arg14[%get3A_216, %get3A_217] {strides = array<i32>} : memref<200x64xf32, #tpu.memory_space<vmem>>, vector<1x16xf32>,
        %get3A_219 = vector.shape_cast %get3A_218 : vector<1x16xf32> to vector<16xf32>
        %add3A_220 = arith.addf %mul3A_215, %get3A_219 : vector<16xf32>
        %swap3A = arith.index_cast %add3A_209 : i32 to index
        %swap3A_221 = arith.constant 0 : index
        %swap3A_222 = tpu.vector_load %arg10[%swap3A, %swap3A_221] {strides = array<i32>} : memref<200x64xf32, #tpu.memory_space<vmem>>, vector<1x16xf32>,
        %swap3A_223 = vector.shape_cast %swap3A_222 : vector<1x16xf32> to vector<16xf32>
        %swap3A_224 = vector.shape_cast %add3A_220 : vector<16xf32> to vector<1x16xf32>
        tpu.vector_store %arg10[%swap3A, %swap3A_221], %swap3A_224 {strides = array<i32>} : memref<200x64xf32, #tpu.memory_space<vmem>>, vector<1x16xf32>,
        %get3A_225 = arith.index_cast %add3A_209 : i32 to index
        %get3A_226 = arith.constant 16 : index
        %get3A_227 = tpu.vector_load %arg10[%get3A_225, %get3A_226] {strides = array<i32>} : memref<200x64xf32, #tpu.memory_space<vmem>>, vector<1x16xf32>,
        %get3A_228 = vector.shape_cast %get3A_227 : vector<1x16xf32> to vector<16xf32>
        %mul3A_229 = arith.constant 1.600000e+01 : f32
        %mul3A_230 = vector.broadcast %mul3A_229 : f32 to vector<16xf32>
        %mul3A_231 = arith.mulf %get3A_228, %mul3A_230 : vector<16xf32>
        %get3A_232 = arith.index_cast %add3A_209 : i32 to index
        %get3A_233 = arith.constant 16 : index
        %get3A_234 = tpu.vector_load %arg14[%get3A_232, %get3A_233] {strides = array<i32>} : memref<200x64xf32, #tpu.memory_space<vmem>>, vector<1x16xf32>,
        %get3A_235 = vector.shape_cast %get3A_234 : vector<1x16xf32> to vector<16xf32>
        %add3A_236 = arith.addf %mul3A_231, %get3A_235 : vector<16xf32>
        %swap3A_237 = arith.index_cast %add3A_209 : i32 to index
        %swap3A_238 = arith.constant 16 : index
        %swap3A_239 = tpu.vector_load %arg10[%swap3A_237, %swap3A_238] {strides = array<i32>} : memref<200x64xf32, #tpu.memory_space<vmem>>, vector<1x16xf32>,
        %swap3A_240 = vector.shape_cast %swap3A_239 : vector<1x16xf32> to vector<16xf32>
        %swap3A_241 = vector.shape_cast %add3A_236 : vector<16xf32> to vector<1x16xf32>
        tpu.vector_store %arg10[%swap3A_237, %swap3A_238], %swap3A_241 {strides = array<i32>} : memref<200x64xf32, #tpu.memory_space<vmem>>, vector<1x16xf32>,
        %get3A_242 = arith.index_cast %add3A_209 : i32 to index
        %get3A_243 = arith.constant 32 : index
        %get3A_244 = tpu.vector_load %arg10[%get3A_242, %get3A_243] {strides = array<i32>} : memref<200x64xf32, #tpu.memory_space<vmem>>, vector<1x16xf32>,
        %get3A_245 = vector.shape_cast %get3A_244 : vector<1x16xf32> to vector<16xf32>
        %mul3A_246 = arith.constant 1.600000e+01 : f32
        %mul3A_247 = vector.broadcast %mul3A_246 : f32 to vector<16xf32>
        %mul3A_248 = arith.mulf %get3A_245, %mul3A_247 : vector<16xf32>
        %get3A_249 = arith.index_cast %add3A_209 : i32 to index
        %get3A_250 = arith.constant 32 : index
        %get3A_251 = tpu.vector_load %arg14[%get3A_249, %get3A_250] {strides = array<i32>} : memref<200x64xf32, #tpu.memory_space<vmem>>, vector<1x16xf32>,
        %get3A_252 = vector.shape_cast %get3A_251 : vector<1x16xf32> to vector<16xf32>
        %add3A_253 = arith.addf %mul3A_248, %get3A_252 : vector<16xf32>
        %swap3A_254 = arith.index_cast %add3A_209 : i32 to index
        %swap3A_255 = arith.constant 32 : index
        %swap3A_256 = tpu.vector_load %arg10[%swap3A_254, %swap3A_255] {strides = array<i32>} : memref<200x64xf32, #tpu.memory_space<vmem>>, vector<1x16xf32>,
        %swap3A_257 = vector.shape_cast %swap3A_256 : vector<1x16xf32> to vector<16xf32>
        %swap3A_258 = vector.shape_cast %add3A_253 : vector<16xf32> to vector<1x16xf32>
        tpu.vector_store %arg10[%swap3A_254, %swap3A_255], %swap3A_258 {strides = array<i32>} : memref<200x64xf32, #tpu.memory_space<vmem>>, vector<1x16xf32>,
        %get3A_259 = arith.index_cast %add3A_209 : i32 to index
        %get3A_260 = arith.constant 48 : index
        %get3A_261 = tpu.vector_load %arg10[%get3A_259, %get3A_260] {strides = array<i32>} : memref<200x64xf32, #tpu.memory_space<vmem>>, vector<1x16xf32>,
        %get3A_262 = vector.shape_cast %get3A_261 : vector<1x16xf32> to vector<16xf32>
        %mul3A_263 = arith.constant 1.600000e+01 : f32
        %mul3A_264 = vector.broadcast %mul3A_263 : f32 to vector<16xf32>
        %mul3A_265 = arith.mulf %get3A_262, %mul3A_264 : vector<16xf32>
        %get3A_266 = arith.index_cast %add3A_209 : i32 to index
        %get3A_267 = arith.constant 48 : index
        %get3A_268 = tpu.vector_load %arg14[%get3A_266, %get3A_267] {strides = array<i32>} : memref<200x64xf32, #tpu.memory_space<vmem>>, vector<1x16xf32>,
        %get3A_269 = vector.shape_cast %get3A_268 : vector<1x16xf32> to vector<16xf32>
        %add3A_270 = arith.addf %mul3A_265, %get3A_269 : vector<16xf32>
        %swap3A_271 = arith.index_cast %add3A_209 : i32 to index
        %swap3A_272 = arith.constant 48 : index
        %swap3A_273 = tpu.vector_load %arg10[%swap3A_271, %swap3A_272] {strides = array<i32>} : memref<200x64xf32, #tpu.memory_space<vmem>>, vector<1x16xf32>,
        %swap3A_274 = vector.shape_cast %swap3A_273 : vector<1x16xf32> to vector<16xf32>
        %swap3A_275 = vector.shape_cast %add3A_270 : vector<16xf32> to vector<1x16xf32>
        tpu.vector_store %arg10[%swap3A_271, %swap3A_272], %swap3A_275 {strides = array<i32>} : memref<200x64xf32, #tpu.memory_space<vmem>>, vector<1x16xf32>,
        %mul3A_276 = arith.constant 4 : i32
        %mul3A_277 = arith.muli %scan3A_205, %mul3A_276 : i32
        %add3A_278 = arith.constant 1 : i32
        %add3A_279 = arith.addi %mul3A_277, %add3A_278 : i32
        %get3A_280 = arith.index_cast %add3A_279 : i32 to index
        %get3A_281 = arith.constant 0 : index
        %get3A_282 = tpu.vector_load %arg10[%get3A_280, %get3A_281] {strides = array<i32>} : memref<200x64xf32, #tpu.memory_space<vmem>>, vector<1x16xf32>,
        %get3A_283 = vector.shape_cast %get3A_282 : vector<1x16xf32> to vector<16xf32>
        %mul3A_284 = arith.constant 1.600000e+01 : f32
        %mul3A_285 = vector.broadcast %mul3A_284 : f32 to vector<16xf32>
        %mul3A_286 = arith.mulf %get3A_283, %mul3A_285 : vector<16xf32>
        %get3A_287 = arith.index_cast %add3A_279 : i32 to index
        %get3A_288 = arith.constant 0 : index
        %get3A_289 = tpu.vector_load %arg14[%get3A_287, %get3A_288] {strides = array<i32>} : memref<200x64xf32, #tpu.memory_space<vmem>>, vector<1x16xf32>,
        %get3A_290 = vector.shape_cast %get3A_289 : vector<1x16xf32> to vector<16xf32>
        %add3A_291 = arith.addf %mul3A_286, %get3A_290 : vector<16xf32>
        %swap3A_292 = arith.index_cast %add3A_279 : i32 to index
        %swap3A_293 = arith.constant 0 : index
        %swap3A_294 = tpu.vector_load %arg10[%swap3A_292, %swap3A_293] {strides = array<i32>} : memref<200x64xf32, #tpu.memory_space<vmem>>, vector<1x16xf32>,
        %swap3A_295 = vector.shape_cast %swap3A_294 : vector<1x16xf32> to vector<16xf32>
        %swap3A_296 = vector.shape_cast %add3A_291 : vector<16xf32> to vector<1x16xf32>
        tpu.vector_store %arg10[%swap3A_292, %swap3A_293], %swap3A_296 {strides = array<i32>} : memref<200x64xf32, #tpu.memory_space<vmem>>, vector<1x16xf32>,
        %get3A_297 = arith.index_cast %add3A_279 : i32 to index
        %get3A_298 = arith.constant 16 : index
        %get3A_299 = tpu.vector_load %arg10[%get3A_297, %get3A_298] {strides = array<i32>} : memref<200x64xf32, #tpu.memory_space<vmem>>, vector<1x16xf32>,
        %get3A_300 = vector.shape_cast %get3A_299 : vector<1x16xf32> to vector<16xf32>
        %mul3A_301 = arith.constant 1.600000e+01 : f32
        %mul3A_302 = vector.broadcast %mul3A_301 : f32 to vector<16xf32>
        %mul3A_303 = arith.mulf %get3A_300, %mul3A_302 : vector<16xf32>
        %get3A_304 = arith.index_cast %add3A_279 : i32 to index
        %get3A_305 = arith.constant 16 : index
        %get3A_306 = tpu.vector_load %arg14[%get3A_304, %get3A_305] {strides = array<i32>} : memref<200x64xf32, #tpu.memory_space<vmem>>, vector<1x16xf32>,
        %get3A_307 = vector.shape_cast %get3A_306 : vector<1x16xf32> to vector<16xf32>
        %add3A_308 = arith.addf %mul3A_303, %get3A_307 : vector<16xf32>
        %swap3A_309 = arith.index_cast %add3A_279 : i32 to index
        %swap3A_310 = arith.constant 16 : index
        %swap3A_311 = tpu.vector_load %arg10[%swap3A_309, %swap3A_310] {strides = array<i32>} : memref<200x64xf32, #tpu.memory_space<vmem>>, vector<1x16xf32>,
        %swap3A_312 = vector.shape_cast %swap3A_311 : vector<1x16xf32> to vector<16xf32>
        %swap3A_313 = vector.shape_cast %add3A_308 : vector<16xf32> to vector<1x16xf32>
        tpu.vector_store %arg10[%swap3A_309, %swap3A_310], %swap3A_313 {strides = array<i32>} : memref<200x64xf32, #tpu.memory_space<vmem>>, vector<1x16xf32>,
        %get3A_314 = arith.index_cast %add3A_279 : i32 to index
        %get3A_315 = arith.constant 32 : index
        %get3A_316 = tpu.vector_load %arg10[%get3A_314, %get3A_315] {strides = array<i32>} : memref<200x64xf32, #tpu.memory_space<vmem>>, vector<1x16xf32>,
        %get3A_317 = vector.shape_cast %get3A_316 : vector<1x16xf32> to vector<16xf32>
        %mul3A_318 = arith.constant 1.600000e+01 : f32
        %mul3A_319 = vector.broadcast %mul3A_318 : f32 to vector<16xf32>
        %mul3A_320 = arith.mulf %get3A_317, %mul3A_319 : vector<16xf32>
        %get3A_321 = arith.index_cast %add3A_279 : i32 to index
        %get3A_322 = arith.constant 32 : index
        %get3A_323 = tpu.vector_load %arg14[%get3A_321, %get3A_322] {strides = array<i32>} : memref<200x64xf32, #tpu.memory_space<vmem>>, vector<1x16xf32>,
        %get3A_324 = vector.shape_cast %get3A_323 : vector<1x16xf32> to vector<16xf32>
        %add3A_325 = arith.addf %mul3A_320, %get3A_324 : vector<16xf32>
        %swap3A_326 = arith.index_cast %add3A_279 : i32 to index
        %swap3A_327 = arith.constant 32 : index
        %swap3A_328 = tpu.vector_load %arg10[%swap3A_326, %swap3A_327] {strides = array<i32>} : memref<200x64xf32, #tpu.memory_space<vmem>>, vector<1x16xf32>,
        %swap3A_329 = vector.shape_cast %swap3A_328 : vector<1x16xf32> to vector<16xf32>
        %swap3A_330 = vector.shape_cast %add3A_325 : vector<16xf32> to vector<1x16xf32>
        tpu.vector_store %arg10[%swap3A_326, %swap3A_327], %swap3A_330 {strides = array<i32>} : memref<200x64xf32, #tpu.memory_space<vmem>>, vector<1x16xf32>,
        %get3A_331 = arith.index_cast %add3A_279 : i32 to index
        %get3A_332 = arith.constant 48 : index
        %get3A_333 = tpu.vector_load %arg10[%get3A_331, %get3A_332] {strides = array<i32>} : memref<200x64xf32, #tpu.memory_space<vmem>>, vector<1x16xf32>,
        %get3A_334 = vector.shape_cast %get3A_333 : vector<1x16xf32> to vector<16xf32>
        %mul3A_335 = arith.constant 1.600000e+01 : f32
        %mul3A_336 = vector.broadcast %mul3A_335 : f32 to vector<16xf32>
        %mul3A_337 = arith.mulf %get3A_334, %mul3A_336 : vector<16xf32>
        %get3A_338 = arith.index_cast %add3A_279 : i32 to index
        %get3A_339 = arith.constant 48 : index
        %get3A_340 = tpu.vector_load %arg14[%get3A_338, %get3A_339] {strides = array<i32>} : memref<200x64xf32, #tpu.memory_space<vmem>>, vector<1x16xf32>,
        %get3A_341 = vector.shape_cast %get3A_340 : vector<1x16xf32> to vector<16xf32>
        %add3A_342 = arith.addf %mul3A_337, %get3A_341 : vector<16xf32>
        %swap3A_343 = arith.index_cast %add3A_279 : i32 to index
        %swap3A_344 = arith.constant 48 : index
        %swap3A_345 = tpu.vector_load %arg10[%swap3A_343, %swap3A_344] {strides = array<i32>} : memref<200x64xf32, #tpu.memory_space<vmem>>, vector<1x16xf32>,
        %swap3A_346 = vector.shape_cast %swap3A_345 : vector<1x16xf32> to vector<16xf32>
        %swap3A_347 = vector.shape_cast %add3A_342 : vector<16xf32> to vector<1x16xf32>
        tpu.vector_store %arg10[%swap3A_343, %swap3A_344], %swap3A_347 {strides = array<i32>} : memref<200x64xf32, #tpu.memory_space<vmem>>, vector<1x16xf32>,
        %mul3A_348 = arith.constant 4 : i32
        %mul3A_349 = arith.muli %scan3A_205, %mul3A_348 : i32
        %add3A_350 = arith.constant 2 : i32
        %add3A_351 = arith.addi %mul3A_349, %add3A_350 : i32
        %get3A_352 = arith.index_cast %add3A_351 : i32 to index
        %get3A_353 = arith.constant 0 : index
        %get3A_354 = tpu.vector_load %arg10[%get3A_352, %get3A_353] {strides = array<i32>} : memref<200x64xf32, #tpu.memory_space<vmem>>, vector<1x16xf32>,
        %get3A_355 = vector.shape_cast %get3A_354 : vector<1x16xf32> to vector<16xf32>
        %mul3A_356 = arith.constant 1.600000e+01 : f32
        %mul3A_357 = vector.broadcast %mul3A_356 : f32 to vector<16xf32>
        %mul3A_358 = arith.mulf %get3A_355, %mul3A_357 : vector<16xf32>
        %get3A_359 = arith.index_cast %add3A_351 : i32 to index
        %get3A_360 = arith.constant 0 : index
        %get3A_361 = tpu.vector_load %arg14[%get3A_359, %get3A_360] {strides = array<i32>} : memref<200x64xf32, #tpu.memory_space<vmem>>, vector<1x16xf32>,
        %get3A_362 = vector.shape_cast %get3A_361 : vector<1x16xf32> to vector<16xf32>
        %add3A_363 = arith.addf %mul3A_358, %get3A_362 : vector<16xf32>
        %swap3A_364 = arith.index_cast %add3A_351 : i32 to index
        %swap3A_365 = arith.constant 0 : index
        %swap3A_366 = tpu.vector_load %arg10[%swap3A_364, %swap3A_365] {strides = array<i32>} : memref<200x64xf32, #tpu.memory_space<vmem>>, vector<1x16xf32>,
        %swap3A_367 = vector.shape_cast %swap3A_366 : vector<1x16xf32> to vector<16xf32>
        %swap3A_368 = vector.shape_cast %add3A_363 : vector<16xf32> to vector<1x16xf32>
        tpu.vector_store %arg10[%swap3A_364, %swap3A_365], %swap3A_368 {strides = array<i32>} : memref<200x64xf32, #tpu.memory_space<vmem>>, vector<1x16xf32>,
        %get3A_369 = arith.index_cast %add3A_351 : i32 to index
        %get3A_370 = arith.constant 16 : index
        %get3A_371 = tpu.vector_load %arg10[%get3A_369, %get3A_370] {strides = array<i32>} : memref<200x64xf32, #tpu.memory_space<vmem>>, vector<1x16xf32>,
        %get3A_372 = vector.shape_cast %get3A_371 : vector<1x16xf32> to vector<16xf32>
        %mul3A_373 = arith.constant 1.600000e+01 : f32
        %mul3A_374 = vector.broadcast %mul3A_373 : f32 to vector<16xf32>
        %mul3A_375 = arith.mulf %get3A_372, %mul3A_374 : vector<16xf32>
        %get3A_376 = arith.index_cast %add3A_351 : i32 to index
        %get3A_377 = arith.constant 16 : index
        %get3A_378 = tpu.vector_load %arg14[%get3A_376, %get3A_377] {strides = array<i32>} : memref<200x64xf32, #tpu.memory_space<vmem>>, vector<1x16xf32>,
        %get3A_379 = vector.shape_cast %get3A_378 : vector<1x16xf32> to vector<16xf32>
        %add3A_380 = arith.addf %mul3A_375, %get3A_379 : vector<16xf32>
        %swap3A_381 = arith.index_cast %add3A_351 : i32 to index
        %swap3A_382 = arith.constant 16 : index
        %swap3A_383 = tpu.vector_load %arg10[%swap3A_381, %swap3A_382] {strides = array<i32>} : memref<200x64xf32, #tpu.memory_space<vmem>>, vector<1x16xf32>,
        %swap3A_384 = vector.shape_cast %swap3A_383 : vector<1x16xf32> to vector<16xf32>
        %swap3A_385 = vector.shape_cast %add3A_380 : vector<16xf32> to vector<1x16xf32>
        tpu.vector_store %arg10[%swap3A_381, %swap3A_382], %swap3A_385 {strides = array<i32>} : memref<200x64xf32, #tpu.memory_space<vmem>>, vector<1x16xf32>,
        %get3A_386 = arith.index_cast %add3A_351 : i32 to index
        %get3A_387 = arith.constant 32 : index
        %get3A_388 = tpu.vector_load %arg10[%get3A_386, %get3A_387] {strides = array<i32>} : memref<200x64xf32, #tpu.memory_space<vmem>>, vector<1x16xf32>,
        %get3A_389 = vector.shape_cast %get3A_388 : vector<1x16xf32> to vector<16xf32>
        %mul3A_390 = arith.constant 1.600000e+01 : f32
        %mul3A_391 = vector.broadcast %mul3A_390 : f32 to vector<16xf32>
        %mul3A_392 = arith.mulf %get3A_389, %mul3A_391 : vector<16xf32>
        %get3A_393 = arith.index_cast %add3A_351 : i32 to index
        %get3A_394 = arith.constant 32 : index
        %get3A_395 = tpu.vector_load %arg14[%get3A_393, %get3A_394] {strides = array<i32>} : memref<200x64xf32, #tpu.memory_space<vmem>>, vector<1x16xf32>,
        %get3A_396 = vector.shape_cast %get3A_395 : vector<1x16xf32> to vector<16xf32>
        %add3A_397 = arith.addf %mul3A_392, %get3A_396 : vector<16xf32>
        %swap3A_398 = arith.index_cast %add3A_351 : i32 to index
        %swap3A_399 = arith.constant 32 : index
        %swap3A_400 = tpu.vector_load %arg10[%swap3A_398, %swap3A_399] {strides = array<i32>} : memref<200x64xf32, #tpu.memory_space<vmem>>, vector<1x16xf32>,
        %swap3A_401 = vector.shape_cast %swap3A_400 : vector<1x16xf32> to vector<16xf32>
        %swap3A_402 = vector.shape_cast %add3A_397 : vector<16xf32> to vector<1x16xf32>
        tpu.vector_store %arg10[%swap3A_398, %swap3A_399], %swap3A_402 {strides = array<i32>} : memref<200x64xf32, #tpu.memory_space<vmem>>, vector<1x16xf32>,
        %get3A_403 = arith.index_cast %add3A_351 : i32 to index
        %get3A_404 = arith.constant 48 : index
        %get3A_405 = tpu.vector_load %arg10[%get3A_403, %get3A_404] {strides = array<i32>} : memref<200x64xf32, #tpu.memory_space<vmem>>, vector<1x16xf32>,
        %get3A_406 = vector.shape_cast %get3A_405 : vector<1x16xf32> to vector<16xf32>
        %mul3A_407 = arith.constant 1.600000e+01 : f32
        %mul3A_408 = vector.broadcast %mul3A_407 : f32 to vector<16xf32>
        %mul3A_409 = arith.mulf %get3A_406, %mul3A_408 : vector<16xf32>
        %get3A_410 = arith.index_cast %add3A_351 : i32 to index
        %get3A_411 = arith.constant 48 : index
        %get3A_412 = tpu.vector_load %arg14[%get3A_410, %get3A_411] {strides = array<i32>} : memref<200x64xf32, #tpu.memory_space<vmem>>, vector<1x16xf32>,
        %get3A_413 = vector.shape_cast %get3A_412 : vector<1x16xf32> to vector<16xf32>
        %add3A_414 = arith.addf %mul3A_409, %get3A_413 : vector<16xf32>
        %swap3A_415 = arith.index_cast %add3A_351 : i32 to index
        %swap3A_416 = arith.constant 48 : index
        %swap3A_417 = tpu.vector_load %arg10[%swap3A_415, %swap3A_416] {strides = array<i32>} : memref<200x64xf32, #tpu.memory_space<vmem>>, vector<1x16xf32>,
        %swap3A_418 = vector.shape_cast %swap3A_417 : vector<1x16xf32> to vector<16xf32>
        %swap3A_419 = vector.shape_cast %add3A_414 : vector<16xf32> to vector<1x16xf32>
        tpu.vector_store %arg10[%swap3A_415, %swap3A_416], %swap3A_419 {strides = array<i32>} : memref<200x64xf32, #tpu.memory_space<vmem>>, vector<1x16xf32>,
        %mul3A_420 = arith.constant 4 : i32
        %mul3A_421 = arith.muli %scan3A_205, %mul3A_420 : i32
        %add3A_422 = arith.constant 3 : i32
        %add3A_423 = arith.addi %mul3A_421, %add3A_422 : i32
        %get3A_424 = arith.index_cast %add3A_423 : i32 to index
        %get3A_425 = arith.constant 0 : index
        %get3A_426 = tpu.vector_load %arg10[%get3A_424, %get3A_425] {strides = array<i32>} : memref<200x64xf32, #tpu.memory_space<vmem>>, vector<1x16xf32>,
        %get3A_427 = vector.shape_cast %get3A_426 : vector<1x16xf32> to vector<16xf32>
        %mul3A_428 = arith.constant 1.600000e+01 : f32
        %mul3A_429 = vector.broadcast %mul3A_428 : f32 to vector<16xf32>
        %mul3A_430 = arith.mulf %get3A_427, %mul3A_429 : vector<16xf32>
        %get3A_431 = arith.index_cast %add3A_423 : i32 to index
        %get3A_432 = arith.constant 0 : index
        %get3A_433 = tpu.vector_load %arg14[%get3A_431, %get3A_432] {strides = array<i32>} : memref<200x64xf32, #tpu.memory_space<vmem>>, vector<1x16xf32>,
        %get3A_434 = vector.shape_cast %get3A_433 : vector<1x16xf32> to vector<16xf32>
        %add3A_435 = arith.addf %mul3A_430, %get3A_434 : vector<16xf32>
        %swap3A_436 = arith.index_cast %add3A_423 : i32 to index
        %swap3A_437 = arith.constant 0 : index
        %swap3A_438 = tpu.vector_load %arg10[%swap3A_436, %swap3A_437] {strides = array<i32>} : memref<200x64xf32, #tpu.memory_space<vmem>>, vector<1x16xf32>,
        %swap3A_439 = vector.shape_cast %swap3A_438 : vector<1x16xf32> to vector<16xf32>
        %swap3A_440 = vector.shape_cast %add3A_435 : vector<16xf32> to vector<1x16xf32>
        tpu.vector_store %arg10[%swap3A_436, %swap3A_437], %swap3A_440 {strides = array<i32>} : memref<200x64xf32, #tpu.memory_space<vmem>>, vector<1x16xf32>,
        %get3A_441 = arith.index_cast %add3A_423 : i32 to index
        %get3A_442 = arith.constant 16 : index
        %get3A_443 = tpu.vector_load %arg10[%get3A_441, %get3A_442] {strides = array<i32>} : memref<200x64xf32, #tpu.memory_space<vmem>>, vector<1x16xf32>,
        %get3A_444 = vector.shape_cast %get3A_443 : vector<1x16xf32> to vector<16xf32>
        %mul3A_445 = arith.constant 1.600000e+01 : f32
        %mul3A_446 = vector.broadcast %mul3A_445 : f32 to vector<16xf32>
        %mul3A_447 = arith.mulf %get3A_444, %mul3A_446 : vector<16xf32>
        %get3A_448 = arith.index_cast %add3A_423 : i32 to index
        %get3A_449 = arith.constant 16 : index
        %get3A_450 = tpu.vector_load %arg14[%get3A_448, %get3A_449] {strides = array<i32>} : memref<200x64xf32, #tpu.memory_space<vmem>>, vector<1x16xf32>,
        %get3A_451 = vector.shape_cast %get3A_450 : vector<1x16xf32> to vector<16xf32>
        %add3A_452 = arith.addf %mul3A_447, %get3A_451 : vector<16xf32>
        %swap3A_453 = arith.index_cast %add3A_423 : i32 to index
        %swap3A_454 = arith.constant 16 : index
        %swap3A_455 = tpu.vector_load %arg10[%swap3A_453, %swap3A_454] {strides = array<i32>} : memref<200x64xf32, #tpu.memory_space<vmem>>, vector<1x16xf32>,
        %swap3A_456 = vector.shape_cast %swap3A_455 : vector<1x16xf32> to vector<16xf32>
        %swap3A_457 = vector.shape_cast %add3A_452 : vector<16xf32> to vector<1x16xf32>
        tpu.vector_store %arg10[%swap3A_453, %swap3A_454], %swap3A_457 {strides = array<i32>} : memref<200x64xf32, #tpu.memory_space<vmem>>, vector<1x16xf32>,
        %get3A_458 = arith.index_cast %add3A_423 : i32 to index
        %get3A_459 = arith.constant 32 : index
        %get3A_460 = tpu.vector_load %arg10[%get3A_458, %get3A_459] {strides = array<i32>} : memref<200x64xf32, #tpu.memory_space<vmem>>, vector<1x16xf32>,
        %get3A_461 = vector.shape_cast %get3A_460 : vector<1x16xf32> to vector<16xf32>
        %mul3A_462 = arith.constant 1.600000e+01 : f32
        %mul3A_463 = vector.broadcast %mul3A_462 : f32 to vector<16xf32>
        %mul3A_464 = arith.mulf %get3A_461, %mul3A_463 : vector<16xf32>
        %get3A_465 = arith.index_cast %add3A_423 : i32 to index
        %get3A_466 = arith.constant 32 : index
        %get3A_467 = tpu.vector_load %arg14[%get3A_465, %get3A_466] {strides = array<i32>} : memref<200x64xf32, #tpu.memory_space<vmem>>, vector<1x16xf32>,
        %get3A_468 = vector.shape_cast %get3A_467 : vector<1x16xf32> to vector<16xf32>
        %add3A_469 = arith.addf %mul3A_464, %get3A_468 : vector<16xf32>
        %swap3A_470 = arith.index_cast %add3A_423 : i32 to index
        %swap3A_471 = arith.constant 32 : index
        %swap3A_472 = tpu.vector_load %arg10[%swap3A_470, %swap3A_471] {strides = array<i32>} : memref<200x64xf32, #tpu.memory_space<vmem>>, vector<1x16xf32>,
        %swap3A_473 = vector.shape_cast %swap3A_472 : vector<1x16xf32> to vector<16xf32>
        %swap3A_474 = vector.shape_cast %add3A_469 : vector<16xf32> to vector<1x16xf32>
        tpu.vector_store %arg10[%swap3A_470, %swap3A_471], %swap3A_474 {strides = array<i32>} : memref<200x64xf32, #tpu.memory_space<vmem>>, vector<1x16xf32>,
        %get3A_475 = arith.index_cast %add3A_423 : i32 to index
        %get3A_476 = arith.constant 48 : index
        %get3A_477 = tpu.vector_load %arg10[%get3A_475, %get3A_476] {strides = array<i32>} : memref<200x64xf32, #tpu.memory_space<vmem>>, vector<1x16xf32>,
        %get3A_478 = vector.shape_cast %get3A_477 : vector<1x16xf32> to vector<16xf32>
        %mul3A_479 = arith.constant 1.600000e+01 : f32
        %mul3A_480 = vector.broadcast %mul3A_479 : f32 to vector<16xf32>
        %mul3A_481 = arith.mulf %get3A_478, %mul3A_480 : vector<16xf32>
        %get3A_482 = arith.index_cast %add3A_423 : i32 to index
        %get3A_483 = arith.constant 48 : index
        %get3A_484 = tpu.vector_load %arg14[%get3A_482, %get3A_483] {strides = array<i32>} : memref<200x64xf32, #tpu.memory_space<vmem>>, vector<1x16xf32>,
        %get3A_485 = vector.shape_cast %get3A_484 : vector<1x16xf32> to vector<16xf32>
        %add3A_486 = arith.addf %mul3A_481, %get3A_485 : vector<16xf32>
        %swap3A_487 = arith.index_cast %add3A_423 : i32 to index
        %swap3A_488 = arith.constant 48 : index
        %swap3A_489 = tpu.vector_load %arg10[%swap3A_487, %swap3A_488] {strides = array<i32>} : memref<200x64xf32, #tpu.memory_space<vmem>>, vector<1x16xf32>,
        %swap3A_490 = vector.shape_cast %swap3A_489 : vector<1x16xf32> to vector<16xf32>
        %swap3A_491 = vector.shape_cast %add3A_486 : vector<16xf32> to vector<1x16xf32>
        tpu.vector_store %arg10[%swap3A_487, %swap3A_488], %swap3A_491 {strides = array<i32>} : memref<200x64xf32, #tpu.memory_space<vmem>>, vector<1x16xf32>,
      }
      %scan3A_87 = arith.constant 50 : i32
      %add3A_88 = arith.addi %mul3A_2, %add3A_67 : i32
      %dma_start3A_89 = arith.constant 0 : i32
      %dma_start3A_90 = arith.constant 0 : i32
      %dma_start3A_91 = tpu.memref_slice %arg5[%add3A_88, %dma_start3A_89, %dma_start3A_90] : memref<4096x200x64xf32, #tpu.memory_space<hbm>> -> memref<1x200x64xf32, #tpu.memory_space<hbm>>
      %dma_start3A_92 = tpu.memref_squeeze %dma_start3A_91 : memref<1x200x64xf32, #tpu.memory_space<hbm>> -> memref<200x64xf32, #tpu.memory_space<hbm>>
      %dma_start3A_93 = arith.constant 0 : i32
      %dma_start3A_94 = arith.constant 0 : i32
      %dma_start3A_95 = tpu.memref_slice %arg5[%add3A_88, %dma_start3A_93, %dma_start3A_94] : memref<4096x200x64xf32, #tpu.memory_space<hbm>> -> memref<1x200x64xf32, #tpu.memory_space<hbm>>
      %dma_start3A_96 = tpu.memref_squeeze %dma_start3A_95 : memref<1x200x64xf32, #tpu.memory_space<hbm>> -> memref<200x64xf32, #tpu.memory_space<hbm>>
      tpu.enqueue_dma source(%arg10 : memref<200x64xf32, #tpu.memory_space<vmem>>) target(%dma_start3A_96 : memref<200x64xf32, #tpu.memory_space<hbm>>) target_semaphore(%arg23 : memref<!tpu.dma_semaphore, #tpu.memory_space<semaphore_mem>>)
      %mul3A_97 = arith.constant 4 : i32
      %mul3A_98 = arith.muli %scan3A_63, %mul3A_97 : i32
      %add3A_99 = arith.constant 1 : i32
      %add3A_100 = arith.addi %mul3A_98, %add3A_99 : i32
      %add3A_101 = arith.constant 2 : i32
      %add3A_102 = arith.addi %add3A_100, %add3A_101 : i32
      %lt3A_103 = arith.constant 128 : i32
      %lt3A_104 = arith.cmpi slt, %add3A_102, %lt3A_103 : i32
      %convert_element_type3A_105 = arith.extui %lt3A_104 : i1 to i32
      %cond3A_106 = arith.constant 0 : i32
      %cond3A_107 = arith.cmpi ne, %convert_element_type3A_105, %cond3A_106 : i32
      scf.if %cond3A_107 {
        %add3A_205 = arith.constant 2 : i32
        %add3A_206 = arith.addi %add3A_100, %add3A_205 : i32
        %add3A_207 = arith.addi %mul3A_2, %add3A_206 : i32
        %dma_start3A_208 = arith.constant 0 : i32
        %dma_start3A_209 = tpu.memref_slice %arg2[%add3A_207, %dma_start3A_208] : memref<4096x200xi32, #tpu.memory_space<hbm>> -> memref<1x200xi32, #tpu.memory_space<hbm>>
        %dma_start3A_210 = tpu.memref_squeeze %dma_start3A_209 : memref<1x200xi32, #tpu.memory_space<hbm>> -> memref<200xi32, #tpu.memory_space<hbm>>
        %dma_start3A_211 = arith.constant 0 : i32
        %dma_start3A_212 = tpu.memref_slice %arg2[%add3A_207, %dma_start3A_211] : memref<4096x200xi32, #tpu.memory_space<hbm>> -> memref<1x200xi32, #tpu.memory_space<hbm>>
        %dma_start3A_213 = tpu.memref_squeeze %dma_start3A_212 : memref<1x200xi32, #tpu.memory_space<hbm>> -> memref<200xi32, #tpu.memory_space<hbm>>
        tpu.enqueue_dma source(%dma_start3A_213 : memref<200xi32, #tpu.memory_space<hbm>>) target(%arg9 : memref<200xi32, #tpu.memory_space<vmem>>) target_semaphore(%arg18 : memref<!tpu.dma_semaphore, #tpu.memory_space<semaphore_mem>>)
      } else {
      }
      %add3A_108 = arith.constant 1 : i32
      %add3A_109 = arith.addi %add3A_100, %add3A_108 : i32
      %lt3A_110 = arith.constant 128 : i32
      %lt3A_111 = arith.cmpi slt, %add3A_109, %lt3A_110 : i32
      %convert_element_type3A_112 = arith.extui %lt3A_111 : i1 to i32
      %cond3A_113 = arith.constant 0 : i32
      %cond3A_114 = arith.cmpi ne, %convert_element_type3A_112, %cond3A_113 : i32
      scf.if %cond3A_114 {
        %dma_wait3A_205 = arith.constant 0 : i32
        %dma_wait3A_206 = tpu.memref_slice %arg2[%mul3A_2, %dma_wait3A_205] : memref<4096x200xi32, #tpu.memory_space<hbm>> -> memref<1x200xi32, #tpu.memory_space<hbm>>
        %dma_wait3A_207 = tpu.memref_squeeze %dma_wait3A_206 : memref<1x200xi32, #tpu.memory_space<hbm>> -> memref<200xi32, #tpu.memory_space<hbm>>
        %dma_wait3A_208 = arith.constant 0 : i32
        %dma_wait3A_209 = tpu.memref_slice %arg2[%mul3A_2, %dma_wait3A_208] : memref<4096x200xi32, #tpu.memory_space<hbm>> -> memref<1x200xi32, #tpu.memory_space<hbm>>
        %dma_wait3A_210 = tpu.memref_squeeze %dma_wait3A_209 : memref<1x200xi32, #tpu.memory_space<hbm>> -> memref<200xi32, #tpu.memory_space<hbm>>
        tpu.wait_dma2 semaphore(%arg17 : memref<!tpu.dma_semaphore, #tpu.memory_space<semaphore_mem>>) src(%dma_wait3A_210 : memref<200xi32, #tpu.memory_space<hbm>>) dst(%arg8 : memref<200xi32, #tpu.memory_space<vmem>>)
        %ge3A = arith.constant 3 : i32
        %ge3A_211 = arith.cmpi sge, %add3A_100, %ge3A : i32
        %convert_element_type3A_212 = arith.extui %ge3A_211 : i1 to i32
        %cond3A_213 = arith.constant 0 : i32
        %cond3A_214 = arith.cmpi ne, %convert_element_type3A_212, %cond3A_213 : i32
        scf.if %cond3A_214 {
          %dma_wait3A_220 = arith.constant 0 : i32
          %dma_wait3A_221 = arith.constant 0 : i32
          %dma_wait3A_222 = tpu.memref_slice %arg5[%mul3A_2, %dma_wait3A_220, %dma_wait3A_221] : memref<4096x200x64xf32, #tpu.memory_space<hbm>> -> memref<1x200x64xf32, #tpu.memory_space<hbm>>
          %dma_wait3A_223 = tpu.memref_squeeze %dma_wait3A_222 : memref<1x200x64xf32, #tpu.memory_space<hbm>> -> memref<200x64xf32, #tpu.memory_space<hbm>>
          %dma_wait3A_224 = arith.constant 0 : i32
          %dma_wait3A_225 = arith.constant 0 : i32
          %dma_wait3A_226 = tpu.memref_slice %arg5[%mul3A_2, %dma_wait3A_224, %dma_wait3A_225] : memref<4096x200x64xf32, #tpu.memory_space<hbm>> -> memref<1x200x64xf32, #tpu.memory_space<hbm>>
          %dma_wait3A_227 = tpu.memref_squeeze %dma_wait3A_226 : memref<1x200x64xf32, #tpu.memory_space<hbm>> -> memref<200x64xf32, #tpu.memory_space<hbm>>
          tpu.wait_dma2 semaphore(%arg25 : memref<!tpu.dma_semaphore, #tpu.memory_space<semaphore_mem>>) src(%arg12 : memref<200x64xf32, #tpu.memory_space<vmem>>) dst(%dma_wait3A_227 : memref<200x64xf32, #tpu.memory_space<hbm>>)
        } else {
        }
        %add3A_215 = arith.constant 1 : i32
        %add3A_216 = arith.addi %add3A_100, %add3A_215 : i32
        %dma_start3A_217 = arith.constant 0 : i32
        %dma_start3A_218 = arith.constant 0 : i32
        %dma_start3A_219 = tpu.memref_slice %arg3[%dma_start3A_217, %dma_start3A_218] : memref<1000000x64xf32, #tpu.memory_space<hbm>> -> memref<1000000x64xf32, #tpu.memory_space<hbm>>
        tpu.enqueue_indirect_dma source(%dma_start3A_219 : memref<1000000x64xf32, #tpu.memory_space<hbm>>) target(%arg12 : memref<200x64xf32, #tpu.memory_space<vmem>>) offsets(%arg8 : memref<200xi32, #tpu.memory_space<vmem>>) semaphore(%arg21 : memref<!tpu.dma_semaphore, #tpu.memory_space<semaphore_mem>>)
      } else {
      }
      %dma_wait3A_115 = arith.constant 0 : i32
      %dma_wait3A_116 = arith.constant 0 : i32
      %dma_wait3A_117 = tpu.memref_slice %arg3[%dma_wait3A_115, %dma_wait3A_116] : memref<1000000x64xf32, #tpu.memory_space<hbm>> -> memref<1000000x64xf32, #tpu.memory_space<hbm>>
      tpu.wait_indirect_dma semaphore(%arg20 : memref<!tpu.dma_semaphore, #tpu.memory_space<semaphore_mem>>) src(%dma_wait3A_117 : memref<1000000x64xf32, #tpu.memory_space<hbm>>) dst(%arg11 : memref<200x64xf32, #tpu.memory_space<vmem>>)
      %scan3A_118 = arith.constant 0 : i32
      %scan3A_119 = arith.constant 0 : i32
      %scan3A_120 = arith.constant 50 : i32
      %scan3A_121 = arith.addi %scan3A_119, %scan3A_120 : i32
      %scan3A_122 = arith.constant 1 : i32
      scf.for %scan3A_205 = %scan3A_119 to %scan3A_121 step %scan3A_122  : i32 {
        %mul3A_206 = arith.constant 4 : i32
        %mul3A_207 = arith.muli %scan3A_205, %mul3A_206 : i32
        %add3A_208 = arith.constant 0 : i32
        %add3A_209 = arith.addi %mul3A_207, %add3A_208 : i32
        %get3A = arith.index_cast %add3A_209 : i32 to index
        %get3A_210 = arith.constant 0 : index
        %get3A_211 = tpu.vector_load %arg11[%get3A, %get3A_210] {strides = array<i32>} : memref<200x64xf32, #tpu.memory_space<vmem>>, vector<1x16xf32>,
        %get3A_212 = vector.shape_cast %get3A_211 : vector<1x16xf32> to vector<16xf32>
        %mul3A_213 = arith.constant 1.600000e+01 : f32
        %mul3A_214 = vector.broadcast %mul3A_213 : f32 to vector<16xf32>
        %mul3A_215 = arith.mulf %get3A_212, %mul3A_214 : vector<16xf32>
        %get3A_216 = arith.index_cast %add3A_209 : i32 to index
        %get3A_217 = arith.constant 0 : index
        %get3A_218 = tpu.vector_load %arg14[%get3A_216, %get3A_217] {strides = array<i32>} : memref<200x64xf32, #tpu.memory_space<vmem>>, vector<1x16xf32>,
        %get3A_219 = vector.shape_cast %get3A_218 : vector<1x16xf32> to vector<16xf32>
        %add3A_220 = arith.addf %mul3A_215, %get3A_219 : vector<16xf32>
        %swap3A = arith.index_cast %add3A_209 : i32 to index
        %swap3A_221 = arith.constant 0 : index
        %swap3A_222 = tpu.vector_load %arg11[%swap3A, %swap3A_221] {strides = array<i32>} : memref<200x64xf32, #tpu.memory_space<vmem>>, vector<1x16xf32>,
        %swap3A_223 = vector.shape_cast %swap3A_222 : vector<1x16xf32> to vector<16xf32>
        %swap3A_224 = vector.shape_cast %add3A_220 : vector<16xf32> to vector<1x16xf32>
        tpu.vector_store %arg11[%swap3A, %swap3A_221], %swap3A_224 {strides = array<i32>} : memref<200x64xf32, #tpu.memory_space<vmem>>, vector<1x16xf32>,
        %get3A_225 = arith.index_cast %add3A_209 : i32 to index
        %get3A_226 = arith.constant 16 : index
        %get3A_227 = tpu.vector_load %arg11[%get3A_225, %get3A_226] {strides = array<i32>} : memref<200x64xf32, #tpu.memory_space<vmem>>, vector<1x16xf32>,
        %get3A_228 = vector.shape_cast %get3A_227 : vector<1x16xf32> to vector<16xf32>
        %mul3A_229 = arith.constant 1.600000e+01 : f32
        %mul3A_230 = vector.broadcast %mul3A_229 : f32 to vector<16xf32>
        %mul3A_231 = arith.mulf %get3A_228, %mul3A_230 : vector<16xf32>
        %get3A_232 = arith.index_cast %add3A_209 : i32 to index
        %get3A_233 = arith.constant 16 : index
        %get3A_234 = tpu.vector_load %arg14[%get3A_232, %get3A_233] {strides = array<i32>} : memref<200x64xf32, #tpu.memory_space<vmem>>, vector<1x16xf32>,
        %get3A_235 = vector.shape_cast %get3A_234 : vector<1x16xf32> to vector<16xf32>
        %add3A_236 = arith.addf %mul3A_231, %get3A_235 : vector<16xf32>
        %swap3A_237 = arith.index_cast %add3A_209 : i32 to index
        %swap3A_238 = arith.constant 16 : index
        %swap3A_239 = tpu.vector_load %arg11[%swap3A_237, %swap3A_238] {strides = array<i32>} : memref<200x64xf32, #tpu.memory_space<vmem>>, vector<1x16xf32>,
        %swap3A_240 = vector.shape_cast %swap3A_239 : vector<1x16xf32> to vector<16xf32>
        %swap3A_241 = vector.shape_cast %add3A_236 : vector<16xf32> to vector<1x16xf32>
        tpu.vector_store %arg11[%swap3A_237, %swap3A_238], %swap3A_241 {strides = array<i32>} : memref<200x64xf32, #tpu.memory_space<vmem>>, vector<1x16xf32>,
        %get3A_242 = arith.index_cast %add3A_209 : i32 to index
        %get3A_243 = arith.constant 32 : index
        %get3A_244 = tpu.vector_load %arg11[%get3A_242, %get3A_243] {strides = array<i32>} : memref<200x64xf32, #tpu.memory_space<vmem>>, vector<1x16xf32>,
        %get3A_245 = vector.shape_cast %get3A_244 : vector<1x16xf32> to vector<16xf32>
        %mul3A_246 = arith.constant 1.600000e+01 : f32
        %mul3A_247 = vector.broadcast %mul3A_246 : f32 to vector<16xf32>
        %mul3A_248 = arith.mulf %get3A_245, %mul3A_247 : vector<16xf32>
        %get3A_249 = arith.index_cast %add3A_209 : i32 to index
        %get3A_250 = arith.constant 32 : index
        %get3A_251 = tpu.vector_load %arg14[%get3A_249, %get3A_250] {strides = array<i32>} : memref<200x64xf32, #tpu.memory_space<vmem>>, vector<1x16xf32>,
        %get3A_252 = vector.shape_cast %get3A_251 : vector<1x16xf32> to vector<16xf32>
        %add3A_253 = arith.addf %mul3A_248, %get3A_252 : vector<16xf32>
        %swap3A_254 = arith.index_cast %add3A_209 : i32 to index
        %swap3A_255 = arith.constant 32 : index
        %swap3A_256 = tpu.vector_load %arg11[%swap3A_254, %swap3A_255] {strides = array<i32>} : memref<200x64xf32, #tpu.memory_space<vmem>>, vector<1x16xf32>,
        %swap3A_257 = vector.shape_cast %swap3A_256 : vector<1x16xf32> to vector<16xf32>
        %swap3A_258 = vector.shape_cast %add3A_253 : vector<16xf32> to vector<1x16xf32>
        tpu.vector_store %arg11[%swap3A_254, %swap3A_255], %swap3A_258 {strides = array<i32>} : memref<200x64xf32, #tpu.memory_space<vmem>>, vector<1x16xf32>,
        %get3A_259 = arith.index_cast %add3A_209 : i32 to index
        %get3A_260 = arith.constant 48 : index
        %get3A_261 = tpu.vector_load %arg11[%get3A_259, %get3A_260] {strides = array<i32>} : memref<200x64xf32, #tpu.memory_space<vmem>>, vector<1x16xf32>,
        %get3A_262 = vector.shape_cast %get3A_261 : vector<1x16xf32> to vector<16xf32>
        %mul3A_263 = arith.constant 1.600000e+01 : f32
        %mul3A_264 = vector.broadcast %mul3A_263 : f32 to vector<16xf32>
        %mul3A_265 = arith.mulf %get3A_262, %mul3A_264 : vector<16xf32>
        %get3A_266 = arith.index_cast %add3A_209 : i32 to index
        %get3A_267 = arith.constant 48 : index
        %get3A_268 = tpu.vector_load %arg14[%get3A_266, %get3A_267] {strides = array<i32>} : memref<200x64xf32, #tpu.memory_space<vmem>>, vector<1x16xf32>,
        %get3A_269 = vector.shape_cast %get3A_268 : vector<1x16xf32> to vector<16xf32>
        %add3A_270 = arith.addf %mul3A_265, %get3A_269 : vector<16xf32>
        %swap3A_271 = arith.index_cast %add3A_209 : i32 to index
        %swap3A_272 = arith.constant 48 : index
        %swap3A_273 = tpu.vector_load %arg11[%swap3A_271, %swap3A_272] {strides = array<i32>} : memref<200x64xf32, #tpu.memory_space<vmem>>, vector<1x16xf32>,
        %swap3A_274 = vector.shape_cast %swap3A_273 : vector<1x16xf32> to vector<16xf32>
        %swap3A_275 = vector.shape_cast %add3A_270 : vector<16xf32> to vector<1x16xf32>
        tpu.vector_store %arg11[%swap3A_271, %swap3A_272], %swap3A_275 {strides = array<i32>} : memref<200x64xf32, #tpu.memory_space<vmem>>, vector<1x16xf32>,
        %mul3A_276 = arith.constant 4 : i32
        %mul3A_277 = arith.muli %scan3A_205, %mul3A_276 : i32
        %add3A_278 = arith.constant 1 : i32
        %add3A_279 = arith.addi %mul3A_277, %add3A_278 : i32
        %get3A_280 = arith.index_cast %add3A_279 : i32 to index
        %get3A_281 = arith.constant 0 : index
        %get3A_282 = tpu.vector_load %arg11[%get3A_280, %get3A_281] {strides = array<i32>} : memref<200x64xf32, #tpu.memory_space<vmem>>, vector<1x16xf32>,
        %get3A_283 = vector.shape_cast %get3A_282 : vector<1x16xf32> to vector<16xf32>
        %mul3A_284 = arith.constant 1.600000e+01 : f32
        %mul3A_285 = vector.broadcast %mul3A_284 : f32 to vector<16xf32>
        %mul3A_286 = arith.mulf %get3A_283, %mul3A_285 : vector<16xf32>
        %get3A_287 = arith.index_cast %add3A_279 : i32 to index
        %get3A_288 = arith.constant 0 : index
        %get3A_289 = tpu.vector_load %arg14[%get3A_287, %get3A_288] {strides = array<i32>} : memref<200x64xf32, #tpu.memory_space<vmem>>, vector<1x16xf32>,
        %get3A_290 = vector.shape_cast %get3A_289 : vector<1x16xf32> to vector<16xf32>
        %add3A_291 = arith.addf %mul3A_286, %get3A_290 : vector<16xf32>
        %swap3A_292 = arith.index_cast %add3A_279 : i32 to index
        %swap3A_293 = arith.constant 0 : index
        %swap3A_294 = tpu.vector_load %arg11[%swap3A_292, %swap3A_293] {strides = array<i32>} : memref<200x64xf32, #tpu.memory_space<vmem>>, vector<1x16xf32>,
        %swap3A_295 = vector.shape_cast %swap3A_294 : vector<1x16xf32> to vector<16xf32>
        %swap3A_296 = vector.shape_cast %add3A_291 : vector<16xf32> to vector<1x16xf32>
        tpu.vector_store %arg11[%swap3A_292, %swap3A_293], %swap3A_296 {strides = array<i32>} : memref<200x64xf32, #tpu.memory_space<vmem>>, vector<1x16xf32>,
        %get3A_297 = arith.index_cast %add3A_279 : i32 to index
        %get3A_298 = arith.constant 16 : index
        %get3A_299 = tpu.vector_load %arg11[%get3A_297, %get3A_298] {strides = array<i32>} : memref<200x64xf32, #tpu.memory_space<vmem>>, vector<1x16xf32>,
        %get3A_300 = vector.shape_cast %get3A_299 : vector<1x16xf32> to vector<16xf32>
        %mul3A_301 = arith.constant 1.600000e+01 : f32
        %mul3A_302 = vector.broadcast %mul3A_301 : f32 to vector<16xf32>
        %mul3A_303 = arith.mulf %get3A_300, %mul3A_302 : vector<16xf32>
        %get3A_304 = arith.index_cast %add3A_279 : i32 to index
        %get3A_305 = arith.constant 16 : index
        %get3A_306 = tpu.vector_load %arg14[%get3A_304, %get3A_305] {strides = array<i32>} : memref<200x64xf32, #tpu.memory_space<vmem>>, vector<1x16xf32>,
        %get3A_307 = vector.shape_cast %get3A_306 : vector<1x16xf32> to vector<16xf32>
        %add3A_308 = arith.addf %mul3A_303, %get3A_307 : vector<16xf32>
        %swap3A_309 = arith.index_cast %add3A_279 : i32 to index
        %swap3A_310 = arith.constant 16 : index
        %swap3A_311 = tpu.vector_load %arg11[%swap3A_309, %swap3A_310] {strides = array<i32>} : memref<200x64xf32, #tpu.memory_space<vmem>>, vector<1x16xf32>,
        %swap3A_312 = vector.shape_cast %swap3A_311 : vector<1x16xf32> to vector<16xf32>
        %swap3A_313 = vector.shape_cast %add3A_308 : vector<16xf32> to vector<1x16xf32>
        tpu.vector_store %arg11[%swap3A_309, %swap3A_310], %swap3A_313 {strides = array<i32>} : memref<200x64xf32, #tpu.memory_space<vmem>>, vector<1x16xf32>,
        %get3A_314 = arith.index_cast %add3A_279 : i32 to index
        %get3A_315 = arith.constant 32 : index
        %get3A_316 = tpu.vector_load %arg11[%get3A_314, %get3A_315] {strides = array<i32>} : memref<200x64xf32, #tpu.memory_space<vmem>>, vector<1x16xf32>,
        %get3A_317 = vector.shape_cast %get3A_316 : vector<1x16xf32> to vector<16xf32>
        %mul3A_318 = arith.constant 1.600000e+01 : f32
        %mul3A_319 = vector.broadcast %mul3A_318 : f32 to vector<16xf32>
        %mul3A_320 = arith.mulf %get3A_317, %mul3A_319 : vector<16xf32>
        %get3A_321 = arith.index_cast %add3A_279 : i32 to index
        %get3A_322 = arith.constant 32 : index
        %get3A_323 = tpu.vector_load %arg14[%get3A_321, %get3A_322] {strides = array<i32>} : memref<200x64xf32, #tpu.memory_space<vmem>>, vector<1x16xf32>,
        %get3A_324 = vector.shape_cast %get3A_323 : vector<1x16xf32> to vector<16xf32>
        %add3A_325 = arith.addf %mul3A_320, %get3A_324 : vector<16xf32>
        %swap3A_326 = arith.index_cast %add3A_279 : i32 to index
        %swap3A_327 = arith.constant 32 : index
        %swap3A_328 = tpu.vector_load %arg11[%swap3A_326, %swap3A_327] {strides = array<i32>} : memref<200x64xf32, #tpu.memory_space<vmem>>, vector<1x16xf32>,
        %swap3A_329 = vector.shape_cast %swap3A_328 : vector<1x16xf32> to vector<16xf32>
        %swap3A_330 = vector.shape_cast %add3A_325 : vector<16xf32> to vector<1x16xf32>
        tpu.vector_store %arg11[%swap3A_326, %swap3A_327], %swap3A_330 {strides = array<i32>} : memref<200x64xf32, #tpu.memory_space<vmem>>, vector<1x16xf32>,
        %get3A_331 = arith.index_cast %add3A_279 : i32 to index
        %get3A_332 = arith.constant 48 : index
        %get3A_333 = tpu.vector_load %arg11[%get3A_331, %get3A_332] {strides = array<i32>} : memref<200x64xf32, #tpu.memory_space<vmem>>, vector<1x16xf32>,
        %get3A_334 = vector.shape_cast %get3A_333 : vector<1x16xf32> to vector<16xf32>
        %mul3A_335 = arith.constant 1.600000e+01 : f32
        %mul3A_336 = vector.broadcast %mul3A_335 : f32 to vector<16xf32>
        %mul3A_337 = arith.mulf %get3A_334, %mul3A_336 : vector<16xf32>
        %get3A_338 = arith.index_cast %add3A_279 : i32 to index
        %get3A_339 = arith.constant 48 : index
        %get3A_340 = tpu.vector_load %arg14[%get3A_338, %get3A_339] {strides = array<i32>} : memref<200x64xf32, #tpu.memory_space<vmem>>, vector<1x16xf32>,
        %get3A_341 = vector.shape_cast %get3A_340 : vector<1x16xf32> to vector<16xf32>
        %add3A_342 = arith.addf %mul3A_337, %get3A_341 : vector<16xf32>
        %swap3A_343 = arith.index_cast %add3A_279 : i32 to index
        %swap3A_344 = arith.constant 48 : index
        %swap3A_345 = tpu.vector_load %arg11[%swap3A_343, %swap3A_344] {strides = array<i32>} : memref<200x64xf32, #tpu.memory_space<vmem>>, vector<1x16xf32>,
        %swap3A_346 = vector.shape_cast %swap3A_345 : vector<1x16xf32> to vector<16xf32>
        %swap3A_347 = vector.shape_cast %add3A_342 : vector<16xf32> to vector<1x16xf32>
        tpu.vector_store %arg11[%swap3A_343, %swap3A_344], %swap3A_347 {strides = array<i32>} : memref<200x64xf32, #tpu.memory_space<vmem>>, vector<1x16xf32>,
        %mul3A_348 = arith.constant 4 : i32
        %mul3A_349 = arith.muli %scan3A_205, %mul3A_348 : i32
        %add3A_350 = arith.constant 2 : i32
        %add3A_351 = arith.addi %mul3A_349, %add3A_350 : i32
        %get3A_352 = arith.index_cast %add3A_351 : i32 to index
        %get3A_353 = arith.constant 0 : index
        %get3A_354 = tpu.vector_load %arg11[%get3A_352, %get3A_353] {strides = array<i32>} : memref<200x64xf32, #tpu.memory_space<vmem>>, vector<1x16xf32>,
        %get3A_355 = vector.shape_cast %get3A_354 : vector<1x16xf32> to vector<16xf32>
        %mul3A_356 = arith.constant 1.600000e+01 : f32
        %mul3A_357 = vector.broadcast %mul3A_356 : f32 to vector<16xf32>
        %mul3A_358 = arith.mulf %get3A_355, %mul3A_357 : vector<16xf32>
        %get3A_359 = arith.index_cast %add3A_351 : i32 to index
        %get3A_360 = arith.constant 0 : index
        %get3A_361 = tpu.vector_load %arg14[%get3A_359, %get3A_360] {strides = array<i32>} : memref<200x64xf32, #tpu.memory_space<vmem>>, vector<1x16xf32>,
        %get3A_362 = vector.shape_cast %get3A_361 : vector<1x16xf32> to vector<16xf32>
        %add3A_363 = arith.addf %mul3A_358, %get3A_362 : vector<16xf32>
        %swap3A_364 = arith.index_cast %add3A_351 : i32 to index
        %swap3A_365 = arith.constant 0 : index
        %swap3A_366 = tpu.vector_load %arg11[%swap3A_364, %swap3A_365] {strides = array<i32>} : memref<200x64xf32, #tpu.memory_space<vmem>>, vector<1x16xf32>,
        %swap3A_367 = vector.shape_cast %swap3A_366 : vector<1x16xf32> to vector<16xf32>
        %swap3A_368 = vector.shape_cast %add3A_363 : vector<16xf32> to vector<1x16xf32>
        tpu.vector_store %arg11[%swap3A_364, %swap3A_365], %swap3A_368 {strides = array<i32>} : memref<200x64xf32, #tpu.memory_space<vmem>>, vector<1x16xf32>,
        %get3A_369 = arith.index_cast %add3A_351 : i32 to index
        %get3A_370 = arith.constant 16 : index
        %get3A_371 = tpu.vector_load %arg11[%get3A_369, %get3A_370] {strides = array<i32>} : memref<200x64xf32, #tpu.memory_space<vmem>>, vector<1x16xf32>,
        %get3A_372 = vector.shape_cast %get3A_371 : vector<1x16xf32> to vector<16xf32>
        %mul3A_373 = arith.constant 1.600000e+01 : f32
        %mul3A_374 = vector.broadcast %mul3A_373 : f32 to vector<16xf32>
        %mul3A_375 = arith.mulf %get3A_372, %mul3A_374 : vector<16xf32>
        %get3A_376 = arith.index_cast %add3A_351 : i32 to index
        %get3A_377 = arith.constant 16 : index
        %get3A_378 = tpu.vector_load %arg14[%get3A_376, %get3A_377] {strides = array<i32>} : memref<200x64xf32, #tpu.memory_space<vmem>>, vector<1x16xf32>,
        %get3A_379 = vector.shape_cast %get3A_378 : vector<1x16xf32> to vector<16xf32>
        %add3A_380 = arith.addf %mul3A_375, %get3A_379 : vector<16xf32>
        %swap3A_381 = arith.index_cast %add3A_351 : i32 to index
        %swap3A_382 = arith.constant 16 : index
        %swap3A_383 = tpu.vector_load %arg11[%swap3A_381, %swap3A_382] {strides = array<i32>} : memref<200x64xf32, #tpu.memory_space<vmem>>, vector<1x16xf32>,
        %swap3A_384 = vector.shape_cast %swap3A_383 : vector<1x16xf32> to vector<16xf32>
        %swap3A_385 = vector.shape_cast %add3A_380 : vector<16xf32> to vector<1x16xf32>
        tpu.vector_store %arg11[%swap3A_381, %swap3A_382], %swap3A_385 {strides = array<i32>} : memref<200x64xf32, #tpu.memory_space<vmem>>, vector<1x16xf32>,
        %get3A_386 = arith.index_cast %add3A_351 : i32 to index
        %get3A_387 = arith.constant 32 : index
        %get3A_388 = tpu.vector_load %arg11[%get3A_386, %get3A_387] {strides = array<i32>} : memref<200x64xf32, #tpu.memory_space<vmem>>, vector<1x16xf32>,
        %get3A_389 = vector.shape_cast %get3A_388 : vector<1x16xf32> to vector<16xf32>
        %mul3A_390 = arith.constant 1.600000e+01 : f32
        %mul3A_391 = vector.broadcast %mul3A_390 : f32 to vector<16xf32>
        %mul3A_392 = arith.mulf %get3A_389, %mul3A_391 : vector<16xf32>
        %get3A_393 = arith.index_cast %add3A_351 : i32 to index
        %get3A_394 = arith.constant 32 : index
        %get3A_395 = tpu.vector_load %arg14[%get3A_393, %get3A_394] {strides = array<i32>} : memref<200x64xf32, #tpu.memory_space<vmem>>, vector<1x16xf32>,
        %get3A_396 = vector.shape_cast %get3A_395 : vector<1x16xf32> to vector<16xf32>
        %add3A_397 = arith.addf %mul3A_392, %get3A_396 : vector<16xf32>
        %swap3A_398 = arith.index_cast %add3A_351 : i32 to index
        %swap3A_399 = arith.constant 32 : index
        %swap3A_400 = tpu.vector_load %arg11[%swap3A_398, %swap3A_399] {strides = array<i32>} : memref<200x64xf32, #tpu.memory_space<vmem>>, vector<1x16xf32>,
        %swap3A_401 = vector.shape_cast %swap3A_400 : vector<1x16xf32> to vector<16xf32>
        %swap3A_402 = vector.shape_cast %add3A_397 : vector<16xf32> to vector<1x16xf32>
        tpu.vector_store %arg11[%swap3A_398, %swap3A_399], %swap3A_402 {strides = array<i32>} : memref<200x64xf32, #tpu.memory_space<vmem>>, vector<1x16xf32>,
        %get3A_403 = arith.index_cast %add3A_351 : i32 to index
        %get3A_404 = arith.constant 48 : index
        %get3A_405 = tpu.vector_load %arg11[%get3A_403, %get3A_404] {strides = array<i32>} : memref<200x64xf32, #tpu.memory_space<vmem>>, vector<1x16xf32>,
        %get3A_406 = vector.shape_cast %get3A_405 : vector<1x16xf32> to vector<16xf32>
        %mul3A_407 = arith.constant 1.600000e+01 : f32
        %mul3A_408 = vector.broadcast %mul3A_407 : f32 to vector<16xf32>
        %mul3A_409 = arith.mulf %get3A_406, %mul3A_408 : vector<16xf32>
        %get3A_410 = arith.index_cast %add3A_351 : i32 to index
        %get3A_411 = arith.constant 48 : index
        %get3A_412 = tpu.vector_load %arg14[%get3A_410, %get3A_411] {strides = array<i32>} : memref<200x64xf32, #tpu.memory_space<vmem>>, vector<1x16xf32>,
        %get3A_413 = vector.shape_cast %get3A_412 : vector<1x16xf32> to vector<16xf32>
        %add3A_414 = arith.addf %mul3A_409, %get3A_413 : vector<16xf32>
        %swap3A_415 = arith.index_cast %add3A_351 : i32 to index
        %swap3A_416 = arith.constant 48 : index
        %swap3A_417 = tpu.vector_load %arg11[%swap3A_415, %swap3A_416] {strides = array<i32>} : memref<200x64xf32, #tpu.memory_space<vmem>>, vector<1x16xf32>,
        %swap3A_418 = vector.shape_cast %swap3A_417 : vector<1x16xf32> to vector<16xf32>
        %swap3A_419 = vector.shape_cast %add3A_414 : vector<16xf32> to vector<1x16xf32>
        tpu.vector_store %arg11[%swap3A_415, %swap3A_416], %swap3A_419 {strides = array<i32>} : memref<200x64xf32, #tpu.memory_space<vmem>>, vector<1x16xf32>,
        %mul3A_420 = arith.constant 4 : i32
        %mul3A_421 = arith.muli %scan3A_205, %mul3A_420 : i32
        %add3A_422 = arith.constant 3 : i32
        %add3A_423 = arith.addi %mul3A_421, %add3A_422 : i32
        %get3A_424 = arith.index_cast %add3A_423 : i32 to index
        %get3A_425 = arith.constant 0 : index
        %get3A_426 = tpu.vector_load %arg11[%get3A_424, %get3A_425] {strides = array<i32>} : memref<200x64xf32, #tpu.memory_space<vmem>>, vector<1x16xf32>,
        %get3A_427 = vector.shape_cast %get3A_426 : vector<1x16xf32> to vector<16xf32>
        %mul3A_428 = arith.constant 1.600000e+01 : f32
        %mul3A_429 = vector.broadcast %mul3A_428 : f32 to vector<16xf32>
        %mul3A_430 = arith.mulf %get3A_427, %mul3A_429 : vector<16xf32>
        %get3A_431 = arith.index_cast %add3A_423 : i32 to index
        %get3A_432 = arith.constant 0 : index
        %get3A_433 = tpu.vector_load %arg14[%get3A_431, %get3A_432] {strides = array<i32>} : memref<200x64xf32, #tpu.memory_space<vmem>>, vector<1x16xf32>,
        %get3A_434 = vector.shape_cast %get3A_433 : vector<1x16xf32> to vector<16xf32>
        %add3A_435 = arith.addf %mul3A_430, %get3A_434 : vector<16xf32>
        %swap3A_436 = arith.index_cast %add3A_423 : i32 to index
        %swap3A_437 = arith.constant 0 : index
        %swap3A_438 = tpu.vector_load %arg11[%swap3A_436, %swap3A_437] {strides = array<i32>} : memref<200x64xf32, #tpu.memory_space<vmem>>, vector<1x16xf32>,
        %swap3A_439 = vector.shape_cast %swap3A_438 : vector<1x16xf32> to vector<16xf32>
        %swap3A_440 = vector.shape_cast %add3A_435 : vector<16xf32> to vector<1x16xf32>
        tpu.vector_store %arg11[%swap3A_436, %swap3A_437], %swap3A_440 {strides = array<i32>} : memref<200x64xf32, #tpu.memory_space<vmem>>, vector<1x16xf32>,
        %get3A_441 = arith.index_cast %add3A_423 : i32 to index
        %get3A_442 = arith.constant 16 : index
        %get3A_443 = tpu.vector_load %arg11[%get3A_441, %get3A_442] {strides = array<i32>} : memref<200x64xf32, #tpu.memory_space<vmem>>, vector<1x16xf32>,
        %get3A_444 = vector.shape_cast %get3A_443 : vector<1x16xf32> to vector<16xf32>
        %mul3A_445 = arith.constant 1.600000e+01 : f32
        %mul3A_446 = vector.broadcast %mul3A_445 : f32 to vector<16xf32>
        %mul3A_447 = arith.mulf %get3A_444, %mul3A_446 : vector<16xf32>
        %get3A_448 = arith.index_cast %add3A_423 : i32 to index
        %get3A_449 = arith.constant 16 : index
        %get3A_450 = tpu.vector_load %arg14[%get3A_448, %get3A_449] {strides = array<i32>} : memref<200x64xf32, #tpu.memory_space<vmem>>, vector<1x16xf32>,
        %get3A_451 = vector.shape_cast %get3A_450 : vector<1x16xf32> to vector<16xf32>
        %add3A_452 = arith.addf %mul3A_447, %get3A_451 : vector<16xf32>
        %swap3A_453 = arith.index_cast %add3A_423 : i32 to index
        %swap3A_454 = arith.constant 16 : index
        %swap3A_455 = tpu.vector_load %arg11[%swap3A_453, %swap3A_454] {strides = array<i32>} : memref<200x64xf32, #tpu.memory_space<vmem>>, vector<1x16xf32>,
        %swap3A_456 = vector.shape_cast %swap3A_455 : vector<1x16xf32> to vector<16xf32>
        %swap3A_457 = vector.shape_cast %add3A_452 : vector<16xf32> to vector<1x16xf32>
        tpu.vector_store %arg11[%swap3A_453, %swap3A_454], %swap3A_457 {strides = array<i32>} : memref<200x64xf32, #tpu.memory_space<vmem>>, vector<1x16xf32>,
        %get3A_458 = arith.index_cast %add3A_423 : i32 to index
        %get3A_459 = arith.constant 32 : index
        %get3A_460 = tpu.vector_load %arg11[%get3A_458, %get3A_459] {strides = array<i32>} : memref<200x64xf32, #tpu.memory_space<vmem>>, vector<1x16xf32>,
        %get3A_461 = vector.shape_cast %get3A_460 : vector<1x16xf32> to vector<16xf32>
        %mul3A_462 = arith.constant 1.600000e+01 : f32
        %mul3A_463 = vector.broadcast %mul3A_462 : f32 to vector<16xf32>
        %mul3A_464 = arith.mulf %get3A_461, %mul3A_463 : vector<16xf32>
        %get3A_465 = arith.index_cast %add3A_423 : i32 to index
        %get3A_466 = arith.constant 32 : index
        %get3A_467 = tpu.vector_load %arg14[%get3A_465, %get3A_466] {strides = array<i32>} : memref<200x64xf32, #tpu.memory_space<vmem>>, vector<1x16xf32>,
        %get3A_468 = vector.shape_cast %get3A_467 : vector<1x16xf32> to vector<16xf32>
        %add3A_469 = arith.addf %mul3A_464, %get3A_468 : vector<16xf32>
        %swap3A_470 = arith.index_cast %add3A_423 : i32 to index
        %swap3A_471 = arith.constant 32 : index
        %swap3A_472 = tpu.vector_load %arg11[%swap3A_470, %swap3A_471] {strides = array<i32>} : memref<200x64xf32, #tpu.memory_space<vmem>>, vector<1x16xf32>,
        %swap3A_473 = vector.shape_cast %swap3A_472 : vector<1x16xf32> to vector<16xf32>
        %swap3A_474 = vector.shape_cast %add3A_469 : vector<16xf32> to vector<1x16xf32>
        tpu.vector_store %arg11[%swap3A_470, %swap3A_471], %swap3A_474 {strides = array<i32>} : memref<200x64xf32, #tpu.memory_space<vmem>>, vector<1x16xf32>,
        %get3A_475 = arith.index_cast %add3A_423 : i32 to index
        %get3A_476 = arith.constant 48 : index
        %get3A_477 = tpu.vector_load %arg11[%get3A_475, %get3A_476] {strides = array<i32>} : memref<200x64xf32, #tpu.memory_space<vmem>>, vector<1x16xf32>,
        %get3A_478 = vector.shape_cast %get3A_477 : vector<1x16xf32> to vector<16xf32>
        %mul3A_479 = arith.constant 1.600000e+01 : f32
        %mul3A_480 = vector.broadcast %mul3A_479 : f32 to vector<16xf32>
        %mul3A_481 = arith.mulf %get3A_478, %mul3A_480 : vector<16xf32>
        %get3A_482 = arith.index_cast %add3A_423 : i32 to index
        %get3A_483 = arith.constant 48 : index
        %get3A_484 = tpu.vector_load %arg14[%get3A_482, %get3A_483] {strides = array<i32>} : memref<200x64xf32, #tpu.memory_space<vmem>>, vector<1x16xf32>,
        %get3A_485 = vector.shape_cast %get3A_484 : vector<1x16xf32> to vector<16xf32>
        %add3A_486 = arith.addf %mul3A_481, %get3A_485 : vector<16xf32>
        %swap3A_487 = arith.index_cast %add3A_423 : i32 to index
        %swap3A_488 = arith.constant 48 : index
        %swap3A_489 = tpu.vector_load %arg11[%swap3A_487, %swap3A_488] {strides = array<i32>} : memref<200x64xf32, #tpu.memory_space<vmem>>, vector<1x16xf32>,
        %swap3A_490 = vector.shape_cast %swap3A_489 : vector<1x16xf32> to vector<16xf32>
        %swap3A_491 = vector.shape_cast %add3A_486 : vector<16xf32> to vector<1x16xf32>
        tpu.vector_store %arg11[%swap3A_487, %swap3A_488], %swap3A_491 {strides = array<i32>} : memref<200x64xf32, #tpu.memory_space<vmem>>, vector<1x16xf32>,
      }
      %scan3A_123 = arith.constant 50 : i32
      %add3A_124 = arith.addi %mul3A_2, %add3A_100 : i32
      %dma_start3A_125 = arith.constant 0 : i32
      %dma_start3A_126 = arith.constant 0 : i32
      %dma_start3A_127 = tpu.memref_slice %arg5[%add3A_124, %dma_start3A_125, %dma_start3A_126] : memref<4096x200x64xf32, #tpu.memory_space<hbm>> -> memref<1x200x64xf32, #tpu.memory_space<hbm>>
      %dma_start3A_128 = tpu.memref_squeeze %dma_start3A_127 : memref<1x200x64xf32, #tpu.memory_space<hbm>> -> memref<200x64xf32, #tpu.memory_space<hbm>>
      %dma_start3A_129 = arith.constant 0 : i32
      %dma_start3A_130 = arith.constant 0 : i32
      %dma_start3A_131 = tpu.memref_slice %arg5[%add3A_124, %dma_start3A_129, %dma_start3A_130] : memref<4096x200x64xf32, #tpu.memory_space<hbm>> -> memref<1x200x64xf32, #tpu.memory_space<hbm>>
      %dma_start3A_132 = tpu.memref_squeeze %dma_start3A_131 : memref<1x200x64xf32, #tpu.memory_space<hbm>> -> memref<200x64xf32, #tpu.memory_space<hbm>>
      tpu.enqueue_dma source(%arg11 : memref<200x64xf32, #tpu.memory_space<vmem>>) target(%dma_start3A_132 : memref<200x64xf32, #tpu.memory_space<hbm>>) target_semaphore(%arg24 : memref<!tpu.dma_semaphore, #tpu.memory_space<semaphore_mem>>)
      %mul3A_133 = arith.constant 4 : i32
      %mul3A_134 = arith.muli %scan3A_63, %mul3A_133 : i32
      %add3A_135 = arith.constant 2 : i32
      %add3A_136 = arith.addi %mul3A_134, %add3A_135 : i32
      %add3A_137 = arith.constant 2 : i32
      %add3A_138 = arith.addi %add3A_136, %add3A_137 : i32
      %lt3A_139 = arith.constant 128 : i32
      %lt3A_140 = arith.cmpi slt, %add3A_138, %lt3A_139 : i32
      %convert_element_type3A_141 = arith.extui %lt3A_140 : i1 to i32
      %cond3A_142 = arith.constant 0 : i32
      %cond3A_143 = arith.cmpi ne, %convert_element_type3A_141, %cond3A_142 : i32
      scf.if %cond3A_143 {
        %add3A_205 = arith.constant 2 : i32
        %add3A_206 = arith.addi %add3A_136, %add3A_205 : i32
        %add3A_207 = arith.addi %mul3A_2, %add3A_206 : i32
        %dma_start3A_208 = arith.constant 0 : i32
        %dma_start3A_209 = tpu.memref_slice %arg2[%add3A_207, %dma_start3A_208] : memref<4096x200xi32, #tpu.memory_space<hbm>> -> memref<1x200xi32, #tpu.memory_space<hbm>>
        %dma_start3A_210 = tpu.memref_squeeze %dma_start3A_209 : memref<1x200xi32, #tpu.memory_space<hbm>> -> memref<200xi32, #tpu.memory_space<hbm>>
        %dma_start3A_211 = arith.constant 0 : i32
        %dma_start3A_212 = tpu.memref_slice %arg2[%add3A_207, %dma_start3A_211] : memref<4096x200xi32, #tpu.memory_space<hbm>> -> memref<1x200xi32, #tpu.memory_space<hbm>>
        %dma_start3A_213 = tpu.memref_squeeze %dma_start3A_212 : memref<1x200xi32, #tpu.memory_space<hbm>> -> memref<200xi32, #tpu.memory_space<hbm>>
        tpu.enqueue_dma source(%dma_start3A_213 : memref<200xi32, #tpu.memory_space<hbm>>) target(%arg6 : memref<200xi32, #tpu.memory_space<vmem>>) target_semaphore(%arg15 : memref<!tpu.dma_semaphore, #tpu.memory_space<semaphore_mem>>)
      } else {
      }
      %add3A_144 = arith.constant 1 : i32
      %add3A_145 = arith.addi %add3A_136, %add3A_144 : i32
      %lt3A_146 = arith.constant 128 : i32
      %lt3A_147 = arith.cmpi slt, %add3A_145, %lt3A_146 : i32
      %convert_element_type3A_148 = arith.extui %lt3A_147 : i1 to i32
      %cond3A_149 = arith.constant 0 : i32
      %cond3A_150 = arith.cmpi ne, %convert_element_type3A_148, %cond3A_149 : i32
      scf.if %cond3A_150 {
        %dma_wait3A_205 = arith.constant 0 : i32
        %dma_wait3A_206 = tpu.memref_slice %arg2[%mul3A_2, %dma_wait3A_205] : memref<4096x200xi32, #tpu.memory_space<hbm>> -> memref<1x200xi32, #tpu.memory_space<hbm>>
        %dma_wait3A_207 = tpu.memref_squeeze %dma_wait3A_206 : memref<1x200xi32, #tpu.memory_space<hbm>> -> memref<200xi32, #tpu.memory_space<hbm>>
        %dma_wait3A_208 = arith.constant 0 : i32
        %dma_wait3A_209 = tpu.memref_slice %arg2[%mul3A_2, %dma_wait3A_208] : memref<4096x200xi32, #tpu.memory_space<hbm>> -> memref<1x200xi32, #tpu.memory_space<hbm>>
        %dma_wait3A_210 = tpu.memref_squeeze %dma_wait3A_209 : memref<1x200xi32, #tpu.memory_space<hbm>> -> memref<200xi32, #tpu.memory_space<hbm>>
        tpu.wait_dma2 semaphore(%arg18 : memref<!tpu.dma_semaphore, #tpu.memory_space<semaphore_mem>>) src(%dma_wait3A_210 : memref<200xi32, #tpu.memory_space<hbm>>) dst(%arg9 : memref<200xi32, #tpu.memory_space<vmem>>)
        %ge3A = arith.constant 3 : i32
        %ge3A_211 = arith.cmpi sge, %add3A_136, %ge3A : i32
        %convert_element_type3A_212 = arith.extui %ge3A_211 : i1 to i32
        %cond3A_213 = arith.constant 0 : i32
        %cond3A_214 = arith.cmpi ne, %convert_element_type3A_212, %cond3A_213 : i32
        scf.if %cond3A_214 {
          %dma_wait3A_220 = arith.constant 0 : i32
          %dma_wait3A_221 = arith.constant 0 : i32
          %dma_wait3A_222 = tpu.memref_slice %arg5[%mul3A_2, %dma_wait3A_220, %dma_wait3A_221] : memref<4096x200x64xf32, #tpu.memory_space<hbm>> -> memref<1x200x64xf32, #tpu.memory_space<hbm>>
          %dma_wait3A_223 = tpu.memref_squeeze %dma_wait3A_222 : memref<1x200x64xf32, #tpu.memory_space<hbm>> -> memref<200x64xf32, #tpu.memory_space<hbm>>
          %dma_wait3A_224 = arith.constant 0 : i32
          %dma_wait3A_225 = arith.constant 0 : i32
          %dma_wait3A_226 = tpu.memref_slice %arg5[%mul3A_2, %dma_wait3A_224, %dma_wait3A_225] : memref<4096x200x64xf32, #tpu.memory_space<hbm>> -> memref<1x200x64xf32, #tpu.memory_space<hbm>>
          %dma_wait3A_227 = tpu.memref_squeeze %dma_wait3A_226 : memref<1x200x64xf32, #tpu.memory_space<hbm>> -> memref<200x64xf32, #tpu.memory_space<hbm>>
          tpu.wait_dma2 semaphore(%arg26 : memref<!tpu.dma_semaphore, #tpu.memory_space<semaphore_mem>>) src(%arg13 : memref<200x64xf32, #tpu.memory_space<vmem>>) dst(%dma_wait3A_227 : memref<200x64xf32, #tpu.memory_space<hbm>>)
        } else {
        }
        %add3A_215 = arith.constant 1 : i32
        %add3A_216 = arith.addi %add3A_136, %add3A_215 : i32
        %dma_start3A_217 = arith.constant 0 : i32
        %dma_start3A_218 = arith.constant 0 : i32
        %dma_start3A_219 = tpu.memref_slice %arg3[%dma_start3A_217, %dma_start3A_218] : memref<1000000x64xf32, #tpu.memory_space<hbm>> -> memref<1000000x64xf32, #tpu.memory_space<hbm>>
        tpu.enqueue_indirect_dma source(%dma_start3A_219 : memref<1000000x64xf32, #tpu.memory_space<hbm>>) target(%arg13 : memref<200x64xf32, #tpu.memory_space<vmem>>) offsets(%arg9 : memref<200xi32, #tpu.memory_space<vmem>>) semaphore(%arg22 : memref<!tpu.dma_semaphore, #tpu.memory_space<semaphore_mem>>)
      } else {
      }
      %dma_wait3A_151 = arith.constant 0 : i32
      %dma_wait3A_152 = arith.constant 0 : i32
      %dma_wait3A_153 = tpu.memref_slice %arg3[%dma_wait3A_151, %dma_wait3A_152] : memref<1000000x64xf32, #tpu.memory_space<hbm>> -> memref<1000000x64xf32, #tpu.memory_space<hbm>>
      tpu.wait_indirect_dma semaphore(%arg21 : memref<!tpu.dma_semaphore, #tpu.memory_space<semaphore_mem>>) src(%dma_wait3A_153 : memref<1000000x64xf32, #tpu.memory_space<hbm>>) dst(%arg12 : memref<200x64xf32, #tpu.memory_space<vmem>>)
      %scan3A_154 = arith.constant 0 : i32
      %scan3A_155 = arith.constant 0 : i32
      %scan3A_156 = arith.constant 50 : i32
      %scan3A_157 = arith.addi %scan3A_155, %scan3A_156 : i32
      %scan3A_158 = arith.constant 1 : i32
      scf.for %scan3A_205 = %scan3A_155 to %scan3A_157 step %scan3A_158  : i32 {
        %mul3A_206 = arith.constant 4 : i32
        %mul3A_207 = arith.muli %scan3A_205, %mul3A_206 : i32
        %add3A_208 = arith.constant 0 : i32
        %add3A_209 = arith.addi %mul3A_207, %add3A_208 : i32
        %get3A = arith.index_cast %add3A_209 : i32 to index
        %get3A_210 = arith.constant 0 : index
        %get3A_211 = tpu.vector_load %arg12[%get3A, %get3A_210] {strides = array<i32>} : memref<200x64xf32, #tpu.memory_space<vmem>>, vector<1x16xf32>,
        %get3A_212 = vector.shape_cast %get3A_211 : vector<1x16xf32> to vector<16xf32>
        %mul3A_213 = arith.constant 1.600000e+01 : f32
        %mul3A_214 = vector.broadcast %mul3A_213 : f32 to vector<16xf32>
        %mul3A_215 = arith.mulf %get3A_212, %mul3A_214 : vector<16xf32>
        %get3A_216 = arith.index_cast %add3A_209 : i32 to index
        %get3A_217 = arith.constant 0 : index
        %get3A_218 = tpu.vector_load %arg14[%get3A_216, %get3A_217] {strides = array<i32>} : memref<200x64xf32, #tpu.memory_space<vmem>>, vector<1x16xf32>,
        %get3A_219 = vector.shape_cast %get3A_218 : vector<1x16xf32> to vector<16xf32>
        %add3A_220 = arith.addf %mul3A_215, %get3A_219 : vector<16xf32>
        %swap3A = arith.index_cast %add3A_209 : i32 to index
        %swap3A_221 = arith.constant 0 : index
        %swap3A_222 = tpu.vector_load %arg12[%swap3A, %swap3A_221] {strides = array<i32>} : memref<200x64xf32, #tpu.memory_space<vmem>>, vector<1x16xf32>,
        %swap3A_223 = vector.shape_cast %swap3A_222 : vector<1x16xf32> to vector<16xf32>
        %swap3A_224 = vector.shape_cast %add3A_220 : vector<16xf32> to vector<1x16xf32>
        tpu.vector_store %arg12[%swap3A, %swap3A_221], %swap3A_224 {strides = array<i32>} : memref<200x64xf32, #tpu.memory_space<vmem>>, vector<1x16xf32>,
        %get3A_225 = arith.index_cast %add3A_209 : i32 to index
        %get3A_226 = arith.constant 16 : index
        %get3A_227 = tpu.vector_load %arg12[%get3A_225, %get3A_226] {strides = array<i32>} : memref<200x64xf32, #tpu.memory_space<vmem>>, vector<1x16xf32>,
        %get3A_228 = vector.shape_cast %get3A_227 : vector<1x16xf32> to vector<16xf32>
        %mul3A_229 = arith.constant 1.600000e+01 : f32
        %mul3A_230 = vector.broadcast %mul3A_229 : f32 to vector<16xf32>
        %mul3A_231 = arith.mulf %get3A_228, %mul3A_230 : vector<16xf32>
        %get3A_232 = arith.index_cast %add3A_209 : i32 to index
        %get3A_233 = arith.constant 16 : index
        %get3A_234 = tpu.vector_load %arg14[%get3A_232, %get3A_233] {strides = array<i32>} : memref<200x64xf32, #tpu.memory_space<vmem>>, vector<1x16xf32>,
        %get3A_235 = vector.shape_cast %get3A_234 : vector<1x16xf32> to vector<16xf32>
        %add3A_236 = arith.addf %mul3A_231, %get3A_235 : vector<16xf32>
        %swap3A_237 = arith.index_cast %add3A_209 : i32 to index
        %swap3A_238 = arith.constant 16 : index
        %swap3A_239 = tpu.vector_load %arg12[%swap3A_237, %swap3A_238] {strides = array<i32>} : memref<200x64xf32, #tpu.memory_space<vmem>>, vector<1x16xf32>,
        %swap3A_240 = vector.shape_cast %swap3A_239 : vector<1x16xf32> to vector<16xf32>
        %swap3A_241 = vector.shape_cast %add3A_236 : vector<16xf32> to vector<1x16xf32>
        tpu.vector_store %arg12[%swap3A_237, %swap3A_238], %swap3A_241 {strides = array<i32>} : memref<200x64xf32, #tpu.memory_space<vmem>>, vector<1x16xf32>,
        %get3A_242 = arith.index_cast %add3A_209 : i32 to index
        %get3A_243 = arith.constant 32 : index
        %get3A_244 = tpu.vector_load %arg12[%get3A_242, %get3A_243] {strides = array<i32>} : memref<200x64xf32, #tpu.memory_space<vmem>>, vector<1x16xf32>,
        %get3A_245 = vector.shape_cast %get3A_244 : vector<1x16xf32> to vector<16xf32>
        %mul3A_246 = arith.constant 1.600000e+01 : f32
        %mul3A_247 = vector.broadcast %mul3A_246 : f32 to vector<16xf32>
        %mul3A_248 = arith.mulf %get3A_245, %mul3A_247 : vector<16xf32>
        %get3A_249 = arith.index_cast %add3A_209 : i32 to index
        %get3A_250 = arith.constant 32 : index
        %get3A_251 = tpu.vector_load %arg14[%get3A_249, %get3A_250] {strides = array<i32>} : memref<200x64xf32, #tpu.memory_space<vmem>>, vector<1x16xf32>,
        %get3A_252 = vector.shape_cast %get3A_251 : vector<1x16xf32> to vector<16xf32>
        %add3A_253 = arith.addf %mul3A_248, %get3A_252 : vector<16xf32>
        %swap3A_254 = arith.index_cast %add3A_209 : i32 to index
        %swap3A_255 = arith.constant 32 : index
        %swap3A_256 = tpu.vector_load %arg12[%swap3A_254, %swap3A_255] {strides = array<i32>} : memref<200x64xf32, #tpu.memory_space<vmem>>, vector<1x16xf32>,
        %swap3A_257 = vector.shape_cast %swap3A_256 : vector<1x16xf32> to vector<16xf32>
        %swap3A_258 = vector.shape_cast %add3A_253 : vector<16xf32> to vector<1x16xf32>
        tpu.vector_store %arg12[%swap3A_254, %swap3A_255], %swap3A_258 {strides = array<i32>} : memref<200x64xf32, #tpu.memory_space<vmem>>, vector<1x16xf32>,
        %get3A_259 = arith.index_cast %add3A_209 : i32 to index
        %get3A_260 = arith.constant 48 : index
        %get3A_261 = tpu.vector_load %arg12[%get3A_259, %get3A_260] {strides = array<i32>} : memref<200x64xf32, #tpu.memory_space<vmem>>, vector<1x16xf32>,
        %get3A_262 = vector.shape_cast %get3A_261 : vector<1x16xf32> to vector<16xf32>
        %mul3A_263 = arith.constant 1.600000e+01 : f32
        %mul3A_264 = vector.broadcast %mul3A_263 : f32 to vector<16xf32>
        %mul3A_265 = arith.mulf %get3A_262, %mul3A_264 : vector<16xf32>
        %get3A_266 = arith.index_cast %add3A_209 : i32 to index
        %get3A_267 = arith.constant 48 : index
        %get3A_268 = tpu.vector_load %arg14[%get3A_266, %get3A_267] {strides = array<i32>} : memref<200x64xf32, #tpu.memory_space<vmem>>, vector<1x16xf32>,
        %get3A_269 = vector.shape_cast %get3A_268 : vector<1x16xf32> to vector<16xf32>
        %add3A_270 = arith.addf %mul3A_265, %get3A_269 : vector<16xf32>
        %swap3A_271 = arith.index_cast %add3A_209 : i32 to index
        %swap3A_272 = arith.constant 48 : index
        %swap3A_273 = tpu.vector_load %arg12[%swap3A_271, %swap3A_272] {strides = array<i32>} : memref<200x64xf32, #tpu.memory_space<vmem>>, vector<1x16xf32>,
        %swap3A_274 = vector.shape_cast %swap3A_273 : vector<1x16xf32> to vector<16xf32>
        %swap3A_275 = vector.shape_cast %add3A_270 : vector<16xf32> to vector<1x16xf32>
        tpu.vector_store %arg12[%swap3A_271, %swap3A_272], %swap3A_275 {strides = array<i32>} : memref<200x64xf32, #tpu.memory_space<vmem>>, vector<1x16xf32>,
        %mul3A_276 = arith.constant 4 : i32
        %mul3A_277 = arith.muli %scan3A_205, %mul3A_276 : i32
        %add3A_278 = arith.constant 1 : i32
        %add3A_279 = arith.addi %mul3A_277, %add3A_278 : i32
        %get3A_280 = arith.index_cast %add3A_279 : i32 to index
        %get3A_281 = arith.constant 0 : index
        %get3A_282 = tpu.vector_load %arg12[%get3A_280, %get3A_281] {strides = array<i32>} : memref<200x64xf32, #tpu.memory_space<vmem>>, vector<1x16xf32>,
        %get3A_283 = vector.shape_cast %get3A_282 : vector<1x16xf32> to vector<16xf32>
        %mul3A_284 = arith.constant 1.600000e+01 : f32
        %mul3A_285 = vector.broadcast %mul3A_284 : f32 to vector<16xf32>
        %mul3A_286 = arith.mulf %get3A_283, %mul3A_285 : vector<16xf32>
        %get3A_287 = arith.index_cast %add3A_279 : i32 to index
        %get3A_288 = arith.constant 0 : index
        %get3A_289 = tpu.vector_load %arg14[%get3A_287, %get3A_288] {strides = array<i32>} : memref<200x64xf32, #tpu.memory_space<vmem>>, vector<1x16xf32>,
        %get3A_290 = vector.shape_cast %get3A_289 : vector<1x16xf32> to vector<16xf32>
        %add3A_291 = arith.addf %mul3A_286, %get3A_290 : vector<16xf32>
        %swap3A_292 = arith.index_cast %add3A_279 : i32 to index
        %swap3A_293 = arith.constant 0 : index
        %swap3A_294 = tpu.vector_load %arg12[%swap3A_292, %swap3A_293] {strides = array<i32>} : memref<200x64xf32, #tpu.memory_space<vmem>>, vector<1x16xf32>,
        %swap3A_295 = vector.shape_cast %swap3A_294 : vector<1x16xf32> to vector<16xf32>
        %swap3A_296 = vector.shape_cast %add3A_291 : vector<16xf32> to vector<1x16xf32>
        tpu.vector_store %arg12[%swap3A_292, %swap3A_293], %swap3A_296 {strides = array<i32>} : memref<200x64xf32, #tpu.memory_space<vmem>>, vector<1x16xf32>,
        %get3A_297 = arith.index_cast %add3A_279 : i32 to index
        %get3A_298 = arith.constant 16 : index
        %get3A_299 = tpu.vector_load %arg12[%get3A_297, %get3A_298] {strides = array<i32>} : memref<200x64xf32, #tpu.memory_space<vmem>>, vector<1x16xf32>,
        %get3A_300 = vector.shape_cast %get3A_299 : vector<1x16xf32> to vector<16xf32>
        %mul3A_301 = arith.constant 1.600000e+01 : f32
        %mul3A_302 = vector.broadcast %mul3A_301 : f32 to vector<16xf32>
        %mul3A_303 = arith.mulf %get3A_300, %mul3A_302 : vector<16xf32>
        %get3A_304 = arith.index_cast %add3A_279 : i32 to index
        %get3A_305 = arith.constant 16 : index
        %get3A_306 = tpu.vector_load %arg14[%get3A_304, %get3A_305] {strides = array<i32>} : memref<200x64xf32, #tpu.memory_space<vmem>>, vector<1x16xf32>,
        %get3A_307 = vector.shape_cast %get3A_306 : vector<1x16xf32> to vector<16xf32>
        %add3A_308 = arith.addf %mul3A_303, %get3A_307 : vector<16xf32>
        %swap3A_309 = arith.index_cast %add3A_279 : i32 to index
        %swap3A_310 = arith.constant 16 : index
        %swap3A_311 = tpu.vector_load %arg12[%swap3A_309, %swap3A_310] {strides = array<i32>} : memref<200x64xf32, #tpu.memory_space<vmem>>, vector<1x16xf32>,
        %swap3A_312 = vector.shape_cast %swap3A_311 : vector<1x16xf32> to vector<16xf32>
        %swap3A_313 = vector.shape_cast %add3A_308 : vector<16xf32> to vector<1x16xf32>
        tpu.vector_store %arg12[%swap3A_309, %swap3A_310], %swap3A_313 {strides = array<i32>} : memref<200x64xf32, #tpu.memory_space<vmem>>, vector<1x16xf32>,
        %get3A_314 = arith.index_cast %add3A_279 : i32 to index
        %get3A_315 = arith.constant 32 : index
        %get3A_316 = tpu.vector_load %arg12[%get3A_314, %get3A_315] {strides = array<i32>} : memref<200x64xf32, #tpu.memory_space<vmem>>, vector<1x16xf32>,
        %get3A_317 = vector.shape_cast %get3A_316 : vector<1x16xf32> to vector<16xf32>
        %mul3A_318 = arith.constant 1.600000e+01 : f32
        %mul3A_319 = vector.broadcast %mul3A_318 : f32 to vector<16xf32>
        %mul3A_320 = arith.mulf %get3A_317, %mul3A_319 : vector<16xf32>
        %get3A_321 = arith.index_cast %add3A_279 : i32 to index
        %get3A_322 = arith.constant 32 : index
        %get3A_323 = tpu.vector_load %arg14[%get3A_321, %get3A_322] {strides = array<i32>} : memref<200x64xf32, #tpu.memory_space<vmem>>, vector<1x16xf32>,
        %get3A_324 = vector.shape_cast %get3A_323 : vector<1x16xf32> to vector<16xf32>
        %add3A_325 = arith.addf %mul3A_320, %get3A_324 : vector<16xf32>
        %swap3A_326 = arith.index_cast %add3A_279 : i32 to index
        %swap3A_327 = arith.constant 32 : index
        %swap3A_328 = tpu.vector_load %arg12[%swap3A_326, %swap3A_327] {strides = array<i32>} : memref<200x64xf32, #tpu.memory_space<vmem>>, vector<1x16xf32>,
        %swap3A_329 = vector.shape_cast %swap3A_328 : vector<1x16xf32> to vector<16xf32>
        %swap3A_330 = vector.shape_cast %add3A_325 : vector<16xf32> to vector<1x16xf32>
        tpu.vector_store %arg12[%swap3A_326, %swap3A_327], %swap3A_330 {strides = array<i32>} : memref<200x64xf32, #tpu.memory_space<vmem>>, vector<1x16xf32>,
        %get3A_331 = arith.index_cast %add3A_279 : i32 to index
        %get3A_332 = arith.constant 48 : index
        %get3A_333 = tpu.vector_load %arg12[%get3A_331, %get3A_332] {strides = array<i32>} : memref<200x64xf32, #tpu.memory_space<vmem>>, vector<1x16xf32>,
        %get3A_334 = vector.shape_cast %get3A_333 : vector<1x16xf32> to vector<16xf32>
        %mul3A_335 = arith.constant 1.600000e+01 : f32
        %mul3A_336 = vector.broadcast %mul3A_335 : f32 to vector<16xf32>
        %mul3A_337 = arith.mulf %get3A_334, %mul3A_336 : vector<16xf32>
        %get3A_338 = arith.index_cast %add3A_279 : i32 to index
        %get3A_339 = arith.constant 48 : index
        %get3A_340 = tpu.vector_load %arg14[%get3A_338, %get3A_339] {strides = array<i32>} : memref<200x64xf32, #tpu.memory_space<vmem>>, vector<1x16xf32>,
        %get3A_341 = vector.shape_cast %get3A_340 : vector<1x16xf32> to vector<16xf32>
        %add3A_342 = arith.addf %mul3A_337, %get3A_341 : vector<16xf32>
        %swap3A_343 = arith.index_cast %add3A_279 : i32 to index
        %swap3A_344 = arith.constant 48 : index
        %swap3A_345 = tpu.vector_load %arg12[%swap3A_343, %swap3A_344] {strides = array<i32>} : memref<200x64xf32, #tpu.memory_space<vmem>>, vector<1x16xf32>,
        %swap3A_346 = vector.shape_cast %swap3A_345 : vector<1x16xf32> to vector<16xf32>
        %swap3A_347 = vector.shape_cast %add3A_342 : vector<16xf32> to vector<1x16xf32>
        tpu.vector_store %arg12[%swap3A_343, %swap3A_344], %swap3A_347 {strides = array<i32>} : memref<200x64xf32, #tpu.memory_space<vmem>>, vector<1x16xf32>,
        %mul3A_348 = arith.constant 4 : i32
        %mul3A_349 = arith.muli %scan3A_205, %mul3A_348 : i32
        %add3A_350 = arith.constant 2 : i32
        %add3A_351 = arith.addi %mul3A_349, %add3A_350 : i32
        %get3A_352 = arith.index_cast %add3A_351 : i32 to index
        %get3A_353 = arith.constant 0 : index
        %get3A_354 = tpu.vector_load %arg12[%get3A_352, %get3A_353] {strides = array<i32>} : memref<200x64xf32, #tpu.memory_space<vmem>>, vector<1x16xf32>,
        %get3A_355 = vector.shape_cast %get3A_354 : vector<1x16xf32> to vector<16xf32>
        %mul3A_356 = arith.constant 1.600000e+01 : f32
        %mul3A_357 = vector.broadcast %mul3A_356 : f32 to vector<16xf32>
        %mul3A_358 = arith.mulf %get3A_355, %mul3A_357 : vector<16xf32>
        %get3A_359 = arith.index_cast %add3A_351 : i32 to index
        %get3A_360 = arith.constant 0 : index
        %get3A_361 = tpu.vector_load %arg14[%get3A_359, %get3A_360] {strides = array<i32>} : memref<200x64xf32, #tpu.memory_space<vmem>>, vector<1x16xf32>,
        %get3A_362 = vector.shape_cast %get3A_361 : vector<1x16xf32> to vector<16xf32>
        %add3A_363 = arith.addf %mul3A_358, %get3A_362 : vector<16xf32>
        %swap3A_364 = arith.index_cast %add3A_351 : i32 to index
        %swap3A_365 = arith.constant 0 : index
        %swap3A_366 = tpu.vector_load %arg12[%swap3A_364, %swap3A_365] {strides = array<i32>} : memref<200x64xf32, #tpu.memory_space<vmem>>, vector<1x16xf32>,
        %swap3A_367 = vector.shape_cast %swap3A_366 : vector<1x16xf32> to vector<16xf32>
        %swap3A_368 = vector.shape_cast %add3A_363 : vector<16xf32> to vector<1x16xf32>
        tpu.vector_store %arg12[%swap3A_364, %swap3A_365], %swap3A_368 {strides = array<i32>} : memref<200x64xf32, #tpu.memory_space<vmem>>, vector<1x16xf32>,
        %get3A_369 = arith.index_cast %add3A_351 : i32 to index
        %get3A_370 = arith.constant 16 : index
        %get3A_371 = tpu.vector_load %arg12[%get3A_369, %get3A_370] {strides = array<i32>} : memref<200x64xf32, #tpu.memory_space<vmem>>, vector<1x16xf32>,
        %get3A_372 = vector.shape_cast %get3A_371 : vector<1x16xf32> to vector<16xf32>
        %mul3A_373 = arith.constant 1.600000e+01 : f32
        %mul3A_374 = vector.broadcast %mul3A_373 : f32 to vector<16xf32>
        %mul3A_375 = arith.mulf %get3A_372, %mul3A_374 : vector<16xf32>
        %get3A_376 = arith.index_cast %add3A_351 : i32 to index
        %get3A_377 = arith.constant 16 : index
        %get3A_378 = tpu.vector_load %arg14[%get3A_376, %get3A_377] {strides = array<i32>} : memref<200x64xf32, #tpu.memory_space<vmem>>, vector<1x16xf32>,
        %get3A_379 = vector.shape_cast %get3A_378 : vector<1x16xf32> to vector<16xf32>
        %add3A_380 = arith.addf %mul3A_375, %get3A_379 : vector<16xf32>
        %swap3A_381 = arith.index_cast %add3A_351 : i32 to index
        %swap3A_382 = arith.constant 16 : index
        %swap3A_383 = tpu.vector_load %arg12[%swap3A_381, %swap3A_382] {strides = array<i32>} : memref<200x64xf32, #tpu.memory_space<vmem>>, vector<1x16xf32>,
        %swap3A_384 = vector.shape_cast %swap3A_383 : vector<1x16xf32> to vector<16xf32>
        %swap3A_385 = vector.shape_cast %add3A_380 : vector<16xf32> to vector<1x16xf32>
        tpu.vector_store %arg12[%swap3A_381, %swap3A_382], %swap3A_385 {strides = array<i32>} : memref<200x64xf32, #tpu.memory_space<vmem>>, vector<1x16xf32>,
        %get3A_386 = arith.index_cast %add3A_351 : i32 to index
        %get3A_387 = arith.constant 32 : index
        %get3A_388 = tpu.vector_load %arg12[%get3A_386, %get3A_387] {strides = array<i32>} : memref<200x64xf32, #tpu.memory_space<vmem>>, vector<1x16xf32>,
        %get3A_389 = vector.shape_cast %get3A_388 : vector<1x16xf32> to vector<16xf32>
        %mul3A_390 = arith.constant 1.600000e+01 : f32
        %mul3A_391 = vector.broadcast %mul3A_390 : f32 to vector<16xf32>
        %mul3A_392 = arith.mulf %get3A_389, %mul3A_391 : vector<16xf32>
        %get3A_393 = arith.index_cast %add3A_351 : i32 to index
        %get3A_394 = arith.constant 32 : index
        %get3A_395 = tpu.vector_load %arg14[%get3A_393, %get3A_394] {strides = array<i32>} : memref<200x64xf32, #tpu.memory_space<vmem>>, vector<1x16xf32>,
        %get3A_396 = vector.shape_cast %get3A_395 : vector<1x16xf32> to vector<16xf32>
        %add3A_397 = arith.addf %mul3A_392, %get3A_396 : vector<16xf32>
        %swap3A_398 = arith.index_cast %add3A_351 : i32 to index
        %swap3A_399 = arith.constant 32 : index
        %swap3A_400 = tpu.vector_load %arg12[%swap3A_398, %swap3A_399] {strides = array<i32>} : memref<200x64xf32, #tpu.memory_space<vmem>>, vector<1x16xf32>,
        %swap3A_401 = vector.shape_cast %swap3A_400 : vector<1x16xf32> to vector<16xf32>
        %swap3A_402 = vector.shape_cast %add3A_397 : vector<16xf32> to vector<1x16xf32>
        tpu.vector_store %arg12[%swap3A_398, %swap3A_399], %swap3A_402 {strides = array<i32>} : memref<200x64xf32, #tpu.memory_space<vmem>>, vector<1x16xf32>,
        %get3A_403 = arith.index_cast %add3A_351 : i32 to index
        %get3A_404 = arith.constant 48 : index
        %get3A_405 = tpu.vector_load %arg12[%get3A_403, %get3A_404] {strides = array<i32>} : memref<200x64xf32, #tpu.memory_space<vmem>>, vector<1x16xf32>,
        %get3A_406 = vector.shape_cast %get3A_405 : vector<1x16xf32> to vector<16xf32>
        %mul3A_407 = arith.constant 1.600000e+01 : f32
        %mul3A_408 = vector.broadcast %mul3A_407 : f32 to vector<16xf32>
        %mul3A_409 = arith.mulf %get3A_406, %mul3A_408 : vector<16xf32>
        %get3A_410 = arith.index_cast %add3A_351 : i32 to index
        %get3A_411 = arith.constant 48 : index
        %get3A_412 = tpu.vector_load %arg14[%get3A_410, %get3A_411] {strides = array<i32>} : memref<200x64xf32, #tpu.memory_space<vmem>>, vector<1x16xf32>,
        %get3A_413 = vector.shape_cast %get3A_412 : vector<1x16xf32> to vector<16xf32>
        %add3A_414 = arith.addf %mul3A_409, %get3A_413 : vector<16xf32>
        %swap3A_415 = arith.index_cast %add3A_351 : i32 to index
        %swap3A_416 = arith.constant 48 : index
        %swap3A_417 = tpu.vector_load %arg12[%swap3A_415, %swap3A_416] {strides = array<i32>} : memref<200x64xf32, #tpu.memory_space<vmem>>, vector<1x16xf32>,
        %swap3A_418 = vector.shape_cast %swap3A_417 : vector<1x16xf32> to vector<16xf32>
        %swap3A_419 = vector.shape_cast %add3A_414 : vector<16xf32> to vector<1x16xf32>
        tpu.vector_store %arg12[%swap3A_415, %swap3A_416], %swap3A_419 {strides = array<i32>} : memref<200x64xf32, #tpu.memory_space<vmem>>, vector<1x16xf32>,
        %mul3A_420 = arith.constant 4 : i32
        %mul3A_421 = arith.muli %scan3A_205, %mul3A_420 : i32
        %add3A_422 = arith.constant 3 : i32
        %add3A_423 = arith.addi %mul3A_421, %add3A_422 : i32
        %get3A_424 = arith.index_cast %add3A_423 : i32 to index
        %get3A_425 = arith.constant 0 : index
        %get3A_426 = tpu.vector_load %arg12[%get3A_424, %get3A_425] {strides = array<i32>} : memref<200x64xf32, #tpu.memory_space<vmem>>, vector<1x16xf32>,
        %get3A_427 = vector.shape_cast %get3A_426 : vector<1x16xf32> to vector<16xf32>
        %mul3A_428 = arith.constant 1.600000e+01 : f32
        %mul3A_429 = vector.broadcast %mul3A_428 : f32 to vector<16xf32>
        %mul3A_430 = arith.mulf %get3A_427, %mul3A_429 : vector<16xf32>
        %get3A_431 = arith.index_cast %add3A_423 : i32 to index
        %get3A_432 = arith.constant 0 : index
        %get3A_433 = tpu.vector_load %arg14[%get3A_431, %get3A_432] {strides = array<i32>} : memref<200x64xf32, #tpu.memory_space<vmem>>, vector<1x16xf32>,
        %get3A_434 = vector.shape_cast %get3A_433 : vector<1x16xf32> to vector<16xf32>
        %add3A_435 = arith.addf %mul3A_430, %get3A_434 : vector<16xf32>
        %swap3A_436 = arith.index_cast %add3A_423 : i32 to index
        %swap3A_437 = arith.constant 0 : index
        %swap3A_438 = tpu.vector_load %arg12[%swap3A_436, %swap3A_437] {strides = array<i32>} : memref<200x64xf32, #tpu.memory_space<vmem>>, vector<1x16xf32>,
        %swap3A_439 = vector.shape_cast %swap3A_438 : vector<1x16xf32> to vector<16xf32>
        %swap3A_440 = vector.shape_cast %add3A_435 : vector<16xf32> to vector<1x16xf32>
        tpu.vector_store %arg12[%swap3A_436, %swap3A_437], %swap3A_440 {strides = array<i32>} : memref<200x64xf32, #tpu.memory_space<vmem>>, vector<1x16xf32>,
        %get3A_441 = arith.index_cast %add3A_423 : i32 to index
        %get3A_442 = arith.constant 16 : index
        %get3A_443 = tpu.vector_load %arg12[%get3A_441, %get3A_442] {strides = array<i32>} : memref<200x64xf32, #tpu.memory_space<vmem>>, vector<1x16xf32>,
        %get3A_444 = vector.shape_cast %get3A_443 : vector<1x16xf32> to vector<16xf32>
        %mul3A_445 = arith.constant 1.600000e+01 : f32
        %mul3A_446 = vector.broadcast %mul3A_445 : f32 to vector<16xf32>
        %mul3A_447 = arith.mulf %get3A_444, %mul3A_446 : vector<16xf32>
        %get3A_448 = arith.index_cast %add3A_423 : i32 to index
        %get3A_449 = arith.constant 16 : index
        %get3A_450 = tpu.vector_load %arg14[%get3A_448, %get3A_449] {strides = array<i32>} : memref<200x64xf32, #tpu.memory_space<vmem>>, vector<1x16xf32>,
        %get3A_451 = vector.shape_cast %get3A_450 : vector<1x16xf32> to vector<16xf32>
        %add3A_452 = arith.addf %mul3A_447, %get3A_451 : vector<16xf32>
        %swap3A_453 = arith.index_cast %add3A_423 : i32 to index
        %swap3A_454 = arith.constant 16 : index
        %swap3A_455 = tpu.vector_load %arg12[%swap3A_453, %swap3A_454] {strides = array<i32>} : memref<200x64xf32, #tpu.memory_space<vmem>>, vector<1x16xf32>,
        %swap3A_456 = vector.shape_cast %swap3A_455 : vector<1x16xf32> to vector<16xf32>
        %swap3A_457 = vector.shape_cast %add3A_452 : vector<16xf32> to vector<1x16xf32>
        tpu.vector_store %arg12[%swap3A_453, %swap3A_454], %swap3A_457 {strides = array<i32>} : memref<200x64xf32, #tpu.memory_space<vmem>>, vector<1x16xf32>,
        %get3A_458 = arith.index_cast %add3A_423 : i32 to index
        %get3A_459 = arith.constant 32 : index
        %get3A_460 = tpu.vector_load %arg12[%get3A_458, %get3A_459] {strides = array<i32>} : memref<200x64xf32, #tpu.memory_space<vmem>>, vector<1x16xf32>,
        %get3A_461 = vector.shape_cast %get3A_460 : vector<1x16xf32> to vector<16xf32>
        %mul3A_462 = arith.constant 1.600000e+01 : f32
        %mul3A_463 = vector.broadcast %mul3A_462 : f32 to vector<16xf32>
        %mul3A_464 = arith.mulf %get3A_461, %mul3A_463 : vector<16xf32>
        %get3A_465 = arith.index_cast %add3A_423 : i32 to index
        %get3A_466 = arith.constant 32 : index
        %get3A_467 = tpu.vector_load %arg14[%get3A_465, %get3A_466] {strides = array<i32>} : memref<200x64xf32, #tpu.memory_space<vmem>>, vector<1x16xf32>,
        %get3A_468 = vector.shape_cast %get3A_467 : vector<1x16xf32> to vector<16xf32>
        %add3A_469 = arith.addf %mul3A_464, %get3A_468 : vector<16xf32>
        %swap3A_470 = arith.index_cast %add3A_423 : i32 to index
        %swap3A_471 = arith.constant 32 : index
        %swap3A_472 = tpu.vector_load %arg12[%swap3A_470, %swap3A_471] {strides = array<i32>} : memref<200x64xf32, #tpu.memory_space<vmem>>, vector<1x16xf32>,
        %swap3A_473 = vector.shape_cast %swap3A_472 : vector<1x16xf32> to vector<16xf32>
        %swap3A_474 = vector.shape_cast %add3A_469 : vector<16xf32> to vector<1x16xf32>
        tpu.vector_store %arg12[%swap3A_470, %swap3A_471], %swap3A_474 {strides = array<i32>} : memref<200x64xf32, #tpu.memory_space<vmem>>, vector<1x16xf32>,
        %get3A_475 = arith.index_cast %add3A_423 : i32 to index
        %get3A_476 = arith.constant 48 : index
        %get3A_477 = tpu.vector_load %arg12[%get3A_475, %get3A_476] {strides = array<i32>} : memref<200x64xf32, #tpu.memory_space<vmem>>, vector<1x16xf32>,
        %get3A_478 = vector.shape_cast %get3A_477 : vector<1x16xf32> to vector<16xf32>
        %mul3A_479 = arith.constant 1.600000e+01 : f32
        %mul3A_480 = vector.broadcast %mul3A_479 : f32 to vector<16xf32>
        %mul3A_481 = arith.mulf %get3A_478, %mul3A_480 : vector<16xf32>
        %get3A_482 = arith.index_cast %add3A_423 : i32 to index
        %get3A_483 = arith.constant 48 : index
        %get3A_484 = tpu.vector_load %arg14[%get3A_482, %get3A_483] {strides = array<i32>} : memref<200x64xf32, #tpu.memory_space<vmem>>, vector<1x16xf32>,
        %get3A_485 = vector.shape_cast %get3A_484 : vector<1x16xf32> to vector<16xf32>
        %add3A_486 = arith.addf %mul3A_481, %get3A_485 : vector<16xf32>
        %swap3A_487 = arith.index_cast %add3A_423 : i32 to index
        %swap3A_488 = arith.constant 48 : index
        %swap3A_489 = tpu.vector_load %arg12[%swap3A_487, %swap3A_488] {strides = array<i32>} : memref<200x64xf32, #tpu.memory_space<vmem>>, vector<1x16xf32>,
        %swap3A_490 = vector.shape_cast %swap3A_489 : vector<1x16xf32> to vector<16xf32>
        %swap3A_491 = vector.shape_cast %add3A_486 : vector<16xf32> to vector<1x16xf32>
        tpu.vector_store %arg12[%swap3A_487, %swap3A_488], %swap3A_491 {strides = array<i32>} : memref<200x64xf32, #tpu.memory_space<vmem>>, vector<1x16xf32>,
      }
      %scan3A_159 = arith.constant 50 : i32
      %add3A_160 = arith.addi %mul3A_2, %add3A_136 : i32
      %dma_start3A_161 = arith.constant 0 : i32
      %dma_start3A_162 = arith.constant 0 : i32
      %dma_start3A_163 = tpu.memref_slice %arg5[%add3A_160, %dma_start3A_161, %dma_start3A_162] : memref<4096x200x64xf32, #tpu.memory_space<hbm>> -> memref<1x200x64xf32, #tpu.memory_space<hbm>>
      %dma_start3A_164 = tpu.memref_squeeze %dma_start3A_163 : memref<1x200x64xf32, #tpu.memory_space<hbm>> -> memref<200x64xf32, #tpu.memory_space<hbm>>
      %dma_start3A_165 = arith.constant 0 : i32
      %dma_start3A_166 = arith.constant 0 : i32
      %dma_start3A_167 = tpu.memref_slice %arg5[%add3A_160, %dma_start3A_165, %dma_start3A_166] : memref<4096x200x64xf32, #tpu.memory_space<hbm>> -> memref<1x200x64xf32, #tpu.memory_space<hbm>>
      %dma_start3A_168 = tpu.memref_squeeze %dma_start3A_167 : memref<1x200x64xf32, #tpu.memory_space<hbm>> -> memref<200x64xf32, #tpu.memory_space<hbm>>
      tpu.enqueue_dma source(%arg12 : memref<200x64xf32, #tpu.memory_space<vmem>>) target(%dma_start3A_168 : memref<200x64xf32, #tpu.memory_space<hbm>>) target_semaphore(%arg25 : memref<!tpu.dma_semaphore, #tpu.memory_space<semaphore_mem>>)
      %mul3A_169 = arith.constant 4 : i32
      %mul3A_170 = arith.muli %scan3A_63, %mul3A_169 : i32
      %add3A_171 = arith.constant 3 : i32
      %add3A_172 = arith.addi %mul3A_170, %add3A_171 : i32
      %add3A_173 = arith.constant 2 : i32
      %add3A_174 = arith.addi %add3A_172, %add3A_173 : i32
      %lt3A_175 = arith.constant 128 : i32
      %lt3A_176 = arith.cmpi slt, %add3A_174, %lt3A_175 : i32
      %convert_element_type3A_177 = arith.extui %lt3A_176 : i1 to i32
      %cond3A_178 = arith.constant 0 : i32
      %cond3A_179 = arith.cmpi ne, %convert_element_type3A_177, %cond3A_178 : i32
      scf.if %cond3A_179 {
        %add3A_205 = arith.constant 2 : i32
        %add3A_206 = arith.addi %add3A_172, %add3A_205 : i32
        %add3A_207 = arith.addi %mul3A_2, %add3A_206 : i32
        %dma_start3A_208 = arith.constant 0 : i32
        %dma_start3A_209 = tpu.memref_slice %arg2[%add3A_207, %dma_start3A_208] : memref<4096x200xi32, #tpu.memory_space<hbm>> -> memref<1x200xi32, #tpu.memory_space<hbm>>
        %dma_start3A_210 = tpu.memref_squeeze %dma_start3A_209 : memref<1x200xi32, #tpu.memory_space<hbm>> -> memref<200xi32, #tpu.memory_space<hbm>>
        %dma_start3A_211 = arith.constant 0 : i32
        %dma_start3A_212 = tpu.memref_slice %arg2[%add3A_207, %dma_start3A_211] : memref<4096x200xi32, #tpu.memory_space<hbm>> -> memref<1x200xi32, #tpu.memory_space<hbm>>
        %dma_start3A_213 = tpu.memref_squeeze %dma_start3A_212 : memref<1x200xi32, #tpu.memory_space<hbm>> -> memref<200xi32, #tpu.memory_space<hbm>>
        tpu.enqueue_dma source(%dma_start3A_213 : memref<200xi32, #tpu.memory_space<hbm>>) target(%arg7 : memref<200xi32, #tpu.memory_space<vmem>>) target_semaphore(%arg16 : memref<!tpu.dma_semaphore, #tpu.memory_space<semaphore_mem>>)
      } else {
      }
      %add3A_180 = arith.constant 1 : i32
      %add3A_181 = arith.addi %add3A_172, %add3A_180 : i32
      %lt3A_182 = arith.constant 128 : i32
      %lt3A_183 = arith.cmpi slt, %add3A_181, %lt3A_182 : i32
      %convert_element_type3A_184 = arith.extui %lt3A_183 : i1 to i32
      %cond3A_185 = arith.constant 0 : i32
      %cond3A_186 = arith.cmpi ne, %convert_element_type3A_184, %cond3A_185 : i32
      scf.if %cond3A_186 {
        %dma_wait3A_205 = arith.constant 0 : i32
        %dma_wait3A_206 = tpu.memref_slice %arg2[%mul3A_2, %dma_wait3A_205] : memref<4096x200xi32, #tpu.memory_space<hbm>> -> memref<1x200xi32, #tpu.memory_space<hbm>>
        %dma_wait3A_207 = tpu.memref_squeeze %dma_wait3A_206 : memref<1x200xi32, #tpu.memory_space<hbm>> -> memref<200xi32, #tpu.memory_space<hbm>>
        %dma_wait3A_208 = arith.constant 0 : i32
        %dma_wait3A_209 = tpu.memref_slice %arg2[%mul3A_2, %dma_wait3A_208] : memref<4096x200xi32, #tpu.memory_space<hbm>> -> memref<1x200xi32, #tpu.memory_space<hbm>>
        %dma_wait3A_210 = tpu.memref_squeeze %dma_wait3A_209 : memref<1x200xi32, #tpu.memory_space<hbm>> -> memref<200xi32, #tpu.memory_space<hbm>>
        tpu.wait_dma2 semaphore(%arg15 : memref<!tpu.dma_semaphore, #tpu.memory_space<semaphore_mem>>) src(%dma_wait3A_210 : memref<200xi32, #tpu.memory_space<hbm>>) dst(%arg6 : memref<200xi32, #tpu.memory_space<vmem>>)
        %ge3A = arith.constant 3 : i32
        %ge3A_211 = arith.cmpi sge, %add3A_172, %ge3A : i32
        %convert_element_type3A_212 = arith.extui %ge3A_211 : i1 to i32
        %cond3A_213 = arith.constant 0 : i32
        %cond3A_214 = arith.cmpi ne, %convert_element_type3A_212, %cond3A_213 : i32
        scf.if %cond3A_214 {
          %dma_wait3A_220 = arith.constant 0 : i32
          %dma_wait3A_221 = arith.constant 0 : i32
          %dma_wait3A_222 = tpu.memref_slice %arg5[%mul3A_2, %dma_wait3A_220, %dma_wait3A_221] : memref<4096x200x64xf32, #tpu.memory_space<hbm>> -> memref<1x200x64xf32, #tpu.memory_space<hbm>>
          %dma_wait3A_223 = tpu.memref_squeeze %dma_wait3A_222 : memref<1x200x64xf32, #tpu.memory_space<hbm>> -> memref<200x64xf32, #tpu.memory_space<hbm>>
          %dma_wait3A_224 = arith.constant 0 : i32
          %dma_wait3A_225 = arith.constant 0 : i32
          %dma_wait3A_226 = tpu.memref_slice %arg5[%mul3A_2, %dma_wait3A_224, %dma_wait3A_225] : memref<4096x200x64xf32, #tpu.memory_space<hbm>> -> memref<1x200x64xf32, #tpu.memory_space<hbm>>
          %dma_wait3A_227 = tpu.memref_squeeze %dma_wait3A_226 : memref<1x200x64xf32, #tpu.memory_space<hbm>> -> memref<200x64xf32, #tpu.memory_space<hbm>>
          tpu.wait_dma2 semaphore(%arg23 : memref<!tpu.dma_semaphore, #tpu.memory_space<semaphore_mem>>) src(%arg10 : memref<200x64xf32, #tpu.memory_space<vmem>>) dst(%dma_wait3A_227 : memref<200x64xf32, #tpu.memory_space<hbm>>)
        } else {
        }
        %add3A_215 = arith.constant 1 : i32
        %add3A_216 = arith.addi %add3A_172, %add3A_215 : i32
        %dma_start3A_217 = arith.constant 0 : i32
        %dma_start3A_218 = arith.constant 0 : i32
        %dma_start3A_219 = tpu.memref_slice %arg3[%dma_start3A_217, %dma_start3A_218] : memref<1000000x64xf32, #tpu.memory_space<hbm>> -> memref<1000000x64xf32, #tpu.memory_space<hbm>>
        tpu.enqueue_indirect_dma source(%dma_start3A_219 : memref<1000000x64xf32, #tpu.memory_space<hbm>>) target(%arg10 : memref<200x64xf32, #tpu.memory_space<vmem>>) offsets(%arg6 : memref<200xi32, #tpu.memory_space<vmem>>) semaphore(%arg19 : memref<!tpu.dma_semaphore, #tpu.memory_space<semaphore_mem>>)
      } else {
      }
      %dma_wait3A_187 = arith.constant 0 : i32
      %dma_wait3A_188 = arith.constant 0 : i32
      %dma_wait3A_189 = tpu.memref_slice %arg3[%dma_wait3A_187, %dma_wait3A_188] : memref<1000000x64xf32, #tpu.memory_space<hbm>> -> memref<1000000x64xf32, #tpu.memory_space<hbm>>
      tpu.wait_indirect_dma semaphore(%arg22 : memref<!tpu.dma_semaphore, #tpu.memory_space<semaphore_mem>>) src(%dma_wait3A_189 : memref<1000000x64xf32, #tpu.memory_space<hbm>>) dst(%arg13 : memref<200x64xf32, #tpu.memory_space<vmem>>)
      %scan3A_190 = arith.constant 0 : i32
      %scan3A_191 = arith.constant 0 : i32
      %scan3A_192 = arith.constant 50 : i32
      %scan3A_193 = arith.addi %scan3A_191, %scan3A_192 : i32
      %scan3A_194 = arith.constant 1 : i32
      scf.for %scan3A_205 = %scan3A_191 to %scan3A_193 step %scan3A_194  : i32 {
        %mul3A_206 = arith.constant 4 : i32
        %mul3A_207 = arith.muli %scan3A_205, %mul3A_206 : i32
        %add3A_208 = arith.constant 0 : i32
        %add3A_209 = arith.addi %mul3A_207, %add3A_208 : i32
        %get3A = arith.index_cast %add3A_209 : i32 to index
        %get3A_210 = arith.constant 0 : index
        %get3A_211 = tpu.vector_load %arg13[%get3A, %get3A_210] {strides = array<i32>} : memref<200x64xf32, #tpu.memory_space<vmem>>, vector<1x16xf32>,
        %get3A_212 = vector.shape_cast %get3A_211 : vector<1x16xf32> to vector<16xf32>
        %mul3A_213 = arith.constant 1.600000e+01 : f32
        %mul3A_214 = vector.broadcast %mul3A_213 : f32 to vector<16xf32>
        %mul3A_215 = arith.mulf %get3A_212, %mul3A_214 : vector<16xf32>
        %get3A_216 = arith.index_cast %add3A_209 : i32 to index
        %get3A_217 = arith.constant 0 : index
        %get3A_218 = tpu.vector_load %arg14[%get3A_216, %get3A_217] {strides = array<i32>} : memref<200x64xf32, #tpu.memory_space<vmem>>, vector<1x16xf32>,
        %get3A_219 = vector.shape_cast %get3A_218 : vector<1x16xf32> to vector<16xf32>
        %add3A_220 = arith.addf %mul3A_215, %get3A_219 : vector<16xf32>
        %swap3A = arith.index_cast %add3A_209 : i32 to index
        %swap3A_221 = arith.constant 0 : index
        %swap3A_222 = tpu.vector_load %arg13[%swap3A, %swap3A_221] {strides = array<i32>} : memref<200x64xf32, #tpu.memory_space<vmem>>, vector<1x16xf32>,
        %swap3A_223 = vector.shape_cast %swap3A_222 : vector<1x16xf32> to vector<16xf32>
        %swap3A_224 = vector.shape_cast %add3A_220 : vector<16xf32> to vector<1x16xf32>
        tpu.vector_store %arg13[%swap3A, %swap3A_221], %swap3A_224 {strides = array<i32>} : memref<200x64xf32, #tpu.memory_space<vmem>>, vector<1x16xf32>,
        %get3A_225 = arith.index_cast %add3A_209 : i32 to index
        %get3A_226 = arith.constant 16 : index
        %get3A_227 = tpu.vector_load %arg13[%get3A_225, %get3A_226] {strides = array<i32>} : memref<200x64xf32, #tpu.memory_space<vmem>>, vector<1x16xf32>,
        %get3A_228 = vector.shape_cast %get3A_227 : vector<1x16xf32> to vector<16xf32>
        %mul3A_229 = arith.constant 1.600000e+01 : f32
        %mul3A_230 = vector.broadcast %mul3A_229 : f32 to vector<16xf32>
        %mul3A_231 = arith.mulf %get3A_228, %mul3A_230 : vector<16xf32>
        %get3A_232 = arith.index_cast %add3A_209 : i32 to index
        %get3A_233 = arith.constant 16 : index
        %get3A_234 = tpu.vector_load %arg14[%get3A_232, %get3A_233] {strides = array<i32>} : memref<200x64xf32, #tpu.memory_space<vmem>>, vector<1x16xf32>,
        %get3A_235 = vector.shape_cast %get3A_234 : vector<1x16xf32> to vector<16xf32>
        %add3A_236 = arith.addf %mul3A_231, %get3A_235 : vector<16xf32>
        %swap3A_237 = arith.index_cast %add3A_209 : i32 to index
        %swap3A_238 = arith.constant 16 : index
        %swap3A_239 = tpu.vector_load %arg13[%swap3A_237, %swap3A_238] {strides = array<i32>} : memref<200x64xf32, #tpu.memory_space<vmem>>, vector<1x16xf32>,
        %swap3A_240 = vector.shape_cast %swap3A_239 : vector<1x16xf32> to vector<16xf32>
        %swap3A_241 = vector.shape_cast %add3A_236 : vector<16xf32> to vector<1x16xf32>
        tpu.vector_store %arg13[%swap3A_237, %swap3A_238], %swap3A_241 {strides = array<i32>} : memref<200x64xf32, #tpu.memory_space<vmem>>, vector<1x16xf32>,
        %get3A_242 = arith.index_cast %add3A_209 : i32 to index
        %get3A_243 = arith.constant 32 : index
        %get3A_244 = tpu.vector_load %arg13[%get3A_242, %get3A_243] {strides = array<i32>} : memref<200x64xf32, #tpu.memory_space<vmem>>, vector<1x16xf32>,
        %get3A_245 = vector.shape_cast %get3A_244 : vector<1x16xf32> to vector<16xf32>
        %mul3A_246 = arith.constant 1.600000e+01 : f32
        %mul3A_247 = vector.broadcast %mul3A_246 : f32 to vector<16xf32>
        %mul3A_248 = arith.mulf %get3A_245, %mul3A_247 : vector<16xf32>
        %get3A_249 = arith.index_cast %add3A_209 : i32 to index
        %get3A_250 = arith.constant 32 : index
        %get3A_251 = tpu.vector_load %arg14[%get3A_249, %get3A_250] {strides = array<i32>} : memref<200x64xf32, #tpu.memory_space<vmem>>, vector<1x16xf32>,
        %get3A_252 = vector.shape_cast %get3A_251 : vector<1x16xf32> to vector<16xf32>
        %add3A_253 = arith.addf %mul3A_248, %get3A_252 : vector<16xf32>
        %swap3A_254 = arith.index_cast %add3A_209 : i32 to index
        %swap3A_255 = arith.constant 32 : index
        %swap3A_256 = tpu.vector_load %arg13[%swap3A_254, %swap3A_255] {strides = array<i32>} : memref<200x64xf32, #tpu.memory_space<vmem>>, vector<1x16xf32>,
        %swap3A_257 = vector.shape_cast %swap3A_256 : vector<1x16xf32> to vector<16xf32>
        %swap3A_258 = vector.shape_cast %add3A_253 : vector<16xf32> to vector<1x16xf32>
        tpu.vector_store %arg13[%swap3A_254, %swap3A_255], %swap3A_258 {strides = array<i32>} : memref<200x64xf32, #tpu.memory_space<vmem>>, vector<1x16xf32>,
        %get3A_259 = arith.index_cast %add3A_209 : i32 to index
        %get3A_260 = arith.constant 48 : index
        %get3A_261 = tpu.vector_load %arg13[%get3A_259, %get3A_260] {strides = array<i32>} : memref<200x64xf32, #tpu.memory_space<vmem>>, vector<1x16xf32>,
        %get3A_262 = vector.shape_cast %get3A_261 : vector<1x16xf32> to vector<16xf32>
        %mul3A_263 = arith.constant 1.600000e+01 : f32
        %mul3A_264 = vector.broadcast %mul3A_263 : f32 to vector<16xf32>
        %mul3A_265 = arith.mulf %get3A_262, %mul3A_264 : vector<16xf32>
        %get3A_266 = arith.index_cast %add3A_209 : i32 to index
        %get3A_267 = arith.constant 48 : index
        %get3A_268 = tpu.vector_load %arg14[%get3A_266, %get3A_267] {strides = array<i32>} : memref<200x64xf32, #tpu.memory_space<vmem>>, vector<1x16xf32>,
        %get3A_269 = vector.shape_cast %get3A_268 : vector<1x16xf32> to vector<16xf32>
        %add3A_270 = arith.addf %mul3A_265, %get3A_269 : vector<16xf32>
        %swap3A_271 = arith.index_cast %add3A_209 : i32 to index
        %swap3A_272 = arith.constant 48 : index
        %swap3A_273 = tpu.vector_load %arg13[%swap3A_271, %swap3A_272] {strides = array<i32>} : memref<200x64xf32, #tpu.memory_space<vmem>>, vector<1x16xf32>,
        %swap3A_274 = vector.shape_cast %swap3A_273 : vector<1x16xf32> to vector<16xf32>
        %swap3A_275 = vector.shape_cast %add3A_270 : vector<16xf32> to vector<1x16xf32>
        tpu.vector_store %arg13[%swap3A_271, %swap3A_272], %swap3A_275 {strides = array<i32>} : memref<200x64xf32, #tpu.memory_space<vmem>>, vector<1x16xf32>,
        %mul3A_276 = arith.constant 4 : i32
        %mul3A_277 = arith.muli %scan3A_205, %mul3A_276 : i32
        %add3A_278 = arith.constant 1 : i32
        %add3A_279 = arith.addi %mul3A_277, %add3A_278 : i32
        %get3A_280 = arith.index_cast %add3A_279 : i32 to index
        %get3A_281 = arith.constant 0 : index
        %get3A_282 = tpu.vector_load %arg13[%get3A_280, %get3A_281] {strides = array<i32>} : memref<200x64xf32, #tpu.memory_space<vmem>>, vector<1x16xf32>,
        %get3A_283 = vector.shape_cast %get3A_282 : vector<1x16xf32> to vector<16xf32>
        %mul3A_284 = arith.constant 1.600000e+01 : f32
        %mul3A_285 = vector.broadcast %mul3A_284 : f32 to vector<16xf32>
        %mul3A_286 = arith.mulf %get3A_283, %mul3A_285 : vector<16xf32>
        %get3A_287 = arith.index_cast %add3A_279 : i32 to index
        %get3A_288 = arith.constant 0 : index
        %get3A_289 = tpu.vector_load %arg14[%get3A_287, %get3A_288] {strides = array<i32>} : memref<200x64xf32, #tpu.memory_space<vmem>>, vector<1x16xf32>,
        %get3A_290 = vector.shape_cast %get3A_289 : vector<1x16xf32> to vector<16xf32>
        %add3A_291 = arith.addf %mul3A_286, %get3A_290 : vector<16xf32>
        %swap3A_292 = arith.index_cast %add3A_279 : i32 to index
        %swap3A_293 = arith.constant 0 : index
        %swap3A_294 = tpu.vector_load %arg13[%swap3A_292, %swap3A_293] {strides = array<i32>} : memref<200x64xf32, #tpu.memory_space<vmem>>, vector<1x16xf32>,
        %swap3A_295 = vector.shape_cast %swap3A_294 : vector<1x16xf32> to vector<16xf32>
        %swap3A_296 = vector.shape_cast %add3A_291 : vector<16xf32> to vector<1x16xf32>
        tpu.vector_store %arg13[%swap3A_292, %swap3A_293], %swap3A_296 {strides = array<i32>} : memref<200x64xf32, #tpu.memory_space<vmem>>, vector<1x16xf32>,
        %get3A_297 = arith.index_cast %add3A_279 : i32 to index
        %get3A_298 = arith.constant 16 : index
        %get3A_299 = tpu.vector_load %arg13[%get3A_297, %get3A_298] {strides = array<i32>} : memref<200x64xf32, #tpu.memory_space<vmem>>, vector<1x16xf32>,
        %get3A_300 = vector.shape_cast %get3A_299 : vector<1x16xf32> to vector<16xf32>
        %mul3A_301 = arith.constant 1.600000e+01 : f32
        %mul3A_302 = vector.broadcast %mul3A_301 : f32 to vector<16xf32>
        %mul3A_303 = arith.mulf %get3A_300, %mul3A_302 : vector<16xf32>
        %get3A_304 = arith.index_cast %add3A_279 : i32 to index
        %get3A_305 = arith.constant 16 : index
        %get3A_306 = tpu.vector_load %arg14[%get3A_304, %get3A_305] {strides = array<i32>} : memref<200x64xf32, #tpu.memory_space<vmem>>, vector<1x16xf32>,
        %get3A_307 = vector.shape_cast %get3A_306 : vector<1x16xf32> to vector<16xf32>
        %add3A_308 = arith.addf %mul3A_303, %get3A_307 : vector<16xf32>
        %swap3A_309 = arith.index_cast %add3A_279 : i32 to index
        %swap3A_310 = arith.constant 16 : index
        %swap3A_311 = tpu.vector_load %arg13[%swap3A_309, %swap3A_310] {strides = array<i32>} : memref<200x64xf32, #tpu.memory_space<vmem>>, vector<1x16xf32>,
        %swap3A_312 = vector.shape_cast %swap3A_311 : vector<1x16xf32> to vector<16xf32>
        %swap3A_313 = vector.shape_cast %add3A_308 : vector<16xf32> to vector<1x16xf32>
        tpu.vector_store %arg13[%swap3A_309, %swap3A_310], %swap3A_313 {strides = array<i32>} : memref<200x64xf32, #tpu.memory_space<vmem>>, vector<1x16xf32>,
        %get3A_314 = arith.index_cast %add3A_279 : i32 to index
        %get3A_315 = arith.constant 32 : index
        %get3A_316 = tpu.vector_load %arg13[%get3A_314, %get3A_315] {strides = array<i32>} : memref<200x64xf32, #tpu.memory_space<vmem>>, vector<1x16xf32>,
        %get3A_317 = vector.shape_cast %get3A_316 : vector<1x16xf32> to vector<16xf32>
        %mul3A_318 = arith.constant 1.600000e+01 : f32
        %mul3A_319 = vector.broadcast %mul3A_318 : f32 to vector<16xf32>
        %mul3A_320 = arith.mulf %get3A_317, %mul3A_319 : vector<16xf32>
        %get3A_321 = arith.index_cast %add3A_279 : i32 to index
        %get3A_322 = arith.constant 32 : index
        %get3A_323 = tpu.vector_load %arg14[%get3A_321, %get3A_322] {strides = array<i32>} : memref<200x64xf32, #tpu.memory_space<vmem>>, vector<1x16xf32>,
        %get3A_324 = vector.shape_cast %get3A_323 : vector<1x16xf32> to vector<16xf32>
        %add3A_325 = arith.addf %mul3A_320, %get3A_324 : vector<16xf32>
        %swap3A_326 = arith.index_cast %add3A_279 : i32 to index
        %swap3A_327 = arith.constant 32 : index
        %swap3A_328 = tpu.vector_load %arg13[%swap3A_326, %swap3A_327] {strides = array<i32>} : memref<200x64xf32, #tpu.memory_space<vmem>>, vector<1x16xf32>,
        %swap3A_329 = vector.shape_cast %swap3A_328 : vector<1x16xf32> to vector<16xf32>
        %swap3A_330 = vector.shape_cast %add3A_325 : vector<16xf32> to vector<1x16xf32>
        tpu.vector_store %arg13[%swap3A_326, %swap3A_327], %swap3A_330 {strides = array<i32>} : memref<200x64xf32, #tpu.memory_space<vmem>>, vector<1x16xf32>,
        %get3A_331 = arith.index_cast %add3A_279 : i32 to index
        %get3A_332 = arith.constant 48 : index
        %get3A_333 = tpu.vector_load %arg13[%get3A_331, %get3A_332] {strides = array<i32>} : memref<200x64xf32, #tpu.memory_space<vmem>>, vector<1x16xf32>,
        %get3A_334 = vector.shape_cast %get3A_333 : vector<1x16xf32> to vector<16xf32>
        %mul3A_335 = arith.constant 1.600000e+01 : f32
        %mul3A_336 = vector.broadcast %mul3A_335 : f32 to vector<16xf32>
        %mul3A_337 = arith.mulf %get3A_334, %mul3A_336 : vector<16xf32>
        %get3A_338 = arith.index_cast %add3A_279 : i32 to index
        %get3A_339 = arith.constant 48 : index
        %get3A_340 = tpu.vector_load %arg14[%get3A_338, %get3A_339] {strides = array<i32>} : memref<200x64xf32, #tpu.memory_space<vmem>>, vector<1x16xf32>,
        %get3A_341 = vector.shape_cast %get3A_340 : vector<1x16xf32> to vector<16xf32>
        %add3A_342 = arith.addf %mul3A_337, %get3A_341 : vector<16xf32>
        %swap3A_343 = arith.index_cast %add3A_279 : i32 to index
        %swap3A_344 = arith.constant 48 : index
        %swap3A_345 = tpu.vector_load %arg13[%swap3A_343, %swap3A_344] {strides = array<i32>} : memref<200x64xf32, #tpu.memory_space<vmem>>, vector<1x16xf32>,
        %swap3A_346 = vector.shape_cast %swap3A_345 : vector<1x16xf32> to vector<16xf32>
        %swap3A_347 = vector.shape_cast %add3A_342 : vector<16xf32> to vector<1x16xf32>
        tpu.vector_store %arg13[%swap3A_343, %swap3A_344], %swap3A_347 {strides = array<i32>} : memref<200x64xf32, #tpu.memory_space<vmem>>, vector<1x16xf32>,
        %mul3A_348 = arith.constant 4 : i32
        %mul3A_349 = arith.muli %scan3A_205, %mul3A_348 : i32
        %add3A_350 = arith.constant 2 : i32
        %add3A_351 = arith.addi %mul3A_349, %add3A_350 : i32
        %get3A_352 = arith.index_cast %add3A_351 : i32 to index
        %get3A_353 = arith.constant 0 : index
        %get3A_354 = tpu.vector_load %arg13[%get3A_352, %get3A_353] {strides = array<i32>} : memref<200x64xf32, #tpu.memory_space<vmem>>, vector<1x16xf32>,
        %get3A_355 = vector.shape_cast %get3A_354 : vector<1x16xf32> to vector<16xf32>
        %mul3A_356 = arith.constant 1.600000e+01 : f32
        %mul3A_357 = vector.broadcast %mul3A_356 : f32 to vector<16xf32>
        %mul3A_358 = arith.mulf %get3A_355, %mul3A_357 : vector<16xf32>
        %get3A_359 = arith.index_cast %add3A_351 : i32 to index
        %get3A_360 = arith.constant 0 : index
        %get3A_361 = tpu.vector_load %arg14[%get3A_359, %get3A_360] {strides = array<i32>} : memref<200x64xf32, #tpu.memory_space<vmem>>, vector<1x16xf32>,
        %get3A_362 = vector.shape_cast %get3A_361 : vector<1x16xf32> to vector<16xf32>
        %add3A_363 = arith.addf %mul3A_358, %get3A_362 : vector<16xf32>
        %swap3A_364 = arith.index_cast %add3A_351 : i32 to index
        %swap3A_365 = arith.constant 0 : index
        %swap3A_366 = tpu.vector_load %arg13[%swap3A_364, %swap3A_365] {strides = array<i32>} : memref<200x64xf32, #tpu.memory_space<vmem>>, vector<1x16xf32>,
        %swap3A_367 = vector.shape_cast %swap3A_366 : vector<1x16xf32> to vector<16xf32>
        %swap3A_368 = vector.shape_cast %add3A_363 : vector<16xf32> to vector<1x16xf32>
        tpu.vector_store %arg13[%swap3A_364, %swap3A_365], %swap3A_368 {strides = array<i32>} : memref<200x64xf32, #tpu.memory_space<vmem>>, vector<1x16xf32>,
        %get3A_369 = arith.index_cast %add3A_351 : i32 to index
        %get3A_370 = arith.constant 16 : index
        %get3A_371 = tpu.vector_load %arg13[%get3A_369, %get3A_370] {strides = array<i32>} : memref<200x64xf32, #tpu.memory_space<vmem>>, vector<1x16xf32>,
        %get3A_372 = vector.shape_cast %get3A_371 : vector<1x16xf32> to vector<16xf32>
        %mul3A_373 = arith.constant 1.600000e+01 : f32
        %mul3A_374 = vector.broadcast %mul3A_373 : f32 to vector<16xf32>
        %mul3A_375 = arith.mulf %get3A_372, %mul3A_374 : vector<16xf32>
        %get3A_376 = arith.index_cast %add3A_351 : i32 to index
        %get3A_377 = arith.constant 16 : index
        %get3A_378 = tpu.vector_load %arg14[%get3A_376, %get3A_377] {strides = array<i32>} : memref<200x64xf32, #tpu.memory_space<vmem>>, vector<1x16xf32>,
        %get3A_379 = vector.shape_cast %get3A_378 : vector<1x16xf32> to vector<16xf32>
        %add3A_380 = arith.addf %mul3A_375, %get3A_379 : vector<16xf32>
        %swap3A_381 = arith.index_cast %add3A_351 : i32 to index
        %swap3A_382 = arith.constant 16 : index
        %swap3A_383 = tpu.vector_load %arg13[%swap3A_381, %swap3A_382] {strides = array<i32>} : memref<200x64xf32, #tpu.memory_space<vmem>>, vector<1x16xf32>,
        %swap3A_384 = vector.shape_cast %swap3A_383 : vector<1x16xf32> to vector<16xf32>
        %swap3A_385 = vector.shape_cast %add3A_380 : vector<16xf32> to vector<1x16xf32>
        tpu.vector_store %arg13[%swap3A_381, %swap3A_382], %swap3A_385 {strides = array<i32>} : memref<200x64xf32, #tpu.memory_space<vmem>>, vector<1x16xf32>,
        %get3A_386 = arith.index_cast %add3A_351 : i32 to index
        %get3A_387 = arith.constant 32 : index
        %get3A_388 = tpu.vector_load %arg13[%get3A_386, %get3A_387] {strides = array<i32>} : memref<200x64xf32, #tpu.memory_space<vmem>>, vector<1x16xf32>,
        %get3A_389 = vector.shape_cast %get3A_388 : vector<1x16xf32> to vector<16xf32>
        %mul3A_390 = arith.constant 1.600000e+01 : f32
        %mul3A_391 = vector.broadcast %mul3A_390 : f32 to vector<16xf32>
        %mul3A_392 = arith.mulf %get3A_389, %mul3A_391 : vector<16xf32>
        %get3A_393 = arith.index_cast %add3A_351 : i32 to index
        %get3A_394 = arith.constant 32 : index
        %get3A_395 = tpu.vector_load %arg14[%get3A_393, %get3A_394] {strides = array<i32>} : memref<200x64xf32, #tpu.memory_space<vmem>>, vector<1x16xf32>,
        %get3A_396 = vector.shape_cast %get3A_395 : vector<1x16xf32> to vector<16xf32>
        %add3A_397 = arith.addf %mul3A_392, %get3A_396 : vector<16xf32>
        %swap3A_398 = arith.index_cast %add3A_351 : i32 to index
        %swap3A_399 = arith.constant 32 : index
        %swap3A_400 = tpu.vector_load %arg13[%swap3A_398, %swap3A_399] {strides = array<i32>} : memref<200x64xf32, #tpu.memory_space<vmem>>, vector<1x16xf32>,
        %swap3A_401 = vector.shape_cast %swap3A_400 : vector<1x16xf32> to vector<16xf32>
        %swap3A_402 = vector.shape_cast %add3A_397 : vector<16xf32> to vector<1x16xf32>
        tpu.vector_store %arg13[%swap3A_398, %swap3A_399], %swap3A_402 {strides = array<i32>} : memref<200x64xf32, #tpu.memory_space<vmem>>, vector<1x16xf32>,
        %get3A_403 = arith.index_cast %add3A_351 : i32 to index
        %get3A_404 = arith.constant 48 : index
        %get3A_405 = tpu.vector_load %arg13[%get3A_403, %get3A_404] {strides = array<i32>} : memref<200x64xf32, #tpu.memory_space<vmem>>, vector<1x16xf32>,
        %get3A_406 = vector.shape_cast %get3A_405 : vector<1x16xf32> to vector<16xf32>
        %mul3A_407 = arith.constant 1.600000e+01 : f32
        %mul3A_408 = vector.broadcast %mul3A_407 : f32 to vector<16xf32>
        %mul3A_409 = arith.mulf %get3A_406, %mul3A_408 : vector<16xf32>
        %get3A_410 = arith.index_cast %add3A_351 : i32 to index
        %get3A_411 = arith.constant 48 : index
        %get3A_412 = tpu.vector_load %arg14[%get3A_410, %get3A_411] {strides = array<i32>} : memref<200x64xf32, #tpu.memory_space<vmem>>, vector<1x16xf32>,
        %get3A_413 = vector.shape_cast %get3A_412 : vector<1x16xf32> to vector<16xf32>
        %add3A_414 = arith.addf %mul3A_409, %get3A_413 : vector<16xf32>
        %swap3A_415 = arith.index_cast %add3A_351 : i32 to index
        %swap3A_416 = arith.constant 48 : index
        %swap3A_417 = tpu.vector_load %arg13[%swap3A_415, %swap3A_416] {strides = array<i32>} : memref<200x64xf32, #tpu.memory_space<vmem>>, vector<1x16xf32>,
        %swap3A_418 = vector.shape_cast %swap3A_417 : vector<1x16xf32> to vector<16xf32>
        %swap3A_419 = vector.shape_cast %add3A_414 : vector<16xf32> to vector<1x16xf32>
        tpu.vector_store %arg13[%swap3A_415, %swap3A_416], %swap3A_419 {strides = array<i32>} : memref<200x64xf32, #tpu.memory_space<vmem>>, vector<1x16xf32>,
        %mul3A_420 = arith.constant 4 : i32
        %mul3A_421 = arith.muli %scan3A_205, %mul3A_420 : i32
        %add3A_422 = arith.constant 3 : i32
        %add3A_423 = arith.addi %mul3A_421, %add3A_422 : i32
        %get3A_424 = arith.index_cast %add3A_423 : i32 to index
        %get3A_425 = arith.constant 0 : index
        %get3A_426 = tpu.vector_load %arg13[%get3A_424, %get3A_425] {strides = array<i32>} : memref<200x64xf32, #tpu.memory_space<vmem>>, vector<1x16xf32>,
        %get3A_427 = vector.shape_cast %get3A_426 : vector<1x16xf32> to vector<16xf32>
        %mul3A_428 = arith.constant 1.600000e+01 : f32
        %mul3A_429 = vector.broadcast %mul3A_428 : f32 to vector<16xf32>
        %mul3A_430 = arith.mulf %get3A_427, %mul3A_429 : vector<16xf32>
        %get3A_431 = arith.index_cast %add3A_423 : i32 to index
        %get3A_432 = arith.constant 0 : index
        %get3A_433 = tpu.vector_load %arg14[%get3A_431, %get3A_432] {strides = array<i32>} : memref<200x64xf32, #tpu.memory_space<vmem>>, vector<1x16xf32>,
        %get3A_434 = vector.shape_cast %get3A_433 : vector<1x16xf32> to vector<16xf32>
        %add3A_435 = arith.addf %mul3A_430, %get3A_434 : vector<16xf32>
        %swap3A_436 = arith.index_cast %add3A_423 : i32 to index
        %swap3A_437 = arith.constant 0 : index
        %swap3A_438 = tpu.vector_load %arg13[%swap3A_436, %swap3A_437] {strides = array<i32>} : memref<200x64xf32, #tpu.memory_space<vmem>>, vector<1x16xf32>,
        %swap3A_439 = vector.shape_cast %swap3A_438 : vector<1x16xf32> to vector<16xf32>
        %swap3A_440 = vector.shape_cast %add3A_435 : vector<16xf32> to vector<1x16xf32>
        tpu.vector_store %arg13[%swap3A_436, %swap3A_437], %swap3A_440 {strides = array<i32>} : memref<200x64xf32, #tpu.memory_space<vmem>>, vector<1x16xf32>,
        %get3A_441 = arith.index_cast %add3A_423 : i32 to index
        %get3A_442 = arith.constant 16 : index
        %get3A_443 = tpu.vector_load %arg13[%get3A_441, %get3A_442] {strides = array<i32>} : memref<200x64xf32, #tpu.memory_space<vmem>>, vector<1x16xf32>,
        %get3A_444 = vector.shape_cast %get3A_443 : vector<1x16xf32> to vector<16xf32>
        %mul3A_445 = arith.constant 1.600000e+01 : f32
        %mul3A_446 = vector.broadcast %mul3A_445 : f32 to vector<16xf32>
        %mul3A_447 = arith.mulf %get3A_444, %mul3A_446 : vector<16xf32>
        %get3A_448 = arith.index_cast %add3A_423 : i32 to index
        %get3A_449 = arith.constant 16 : index
        %get3A_450 = tpu.vector_load %arg14[%get3A_448, %get3A_449] {strides = array<i32>} : memref<200x64xf32, #tpu.memory_space<vmem>>, vector<1x16xf32>,
        %get3A_451 = vector.shape_cast %get3A_450 : vector<1x16xf32> to vector<16xf32>
        %add3A_452 = arith.addf %mul3A_447, %get3A_451 : vector<16xf32>
        %swap3A_453 = arith.index_cast %add3A_423 : i32 to index
        %swap3A_454 = arith.constant 16 : index
        %swap3A_455 = tpu.vector_load %arg13[%swap3A_453, %swap3A_454] {strides = array<i32>} : memref<200x64xf32, #tpu.memory_space<vmem>>, vector<1x16xf32>,
        %swap3A_456 = vector.shape_cast %swap3A_455 : vector<1x16xf32> to vector<16xf32>
        %swap3A_457 = vector.shape_cast %add3A_452 : vector<16xf32> to vector<1x16xf32>
        tpu.vector_store %arg13[%swap3A_453, %swap3A_454], %swap3A_457 {strides = array<i32>} : memref<200x64xf32, #tpu.memory_space<vmem>>, vector<1x16xf32>,
        %get3A_458 = arith.index_cast %add3A_423 : i32 to index
        %get3A_459 = arith.constant 32 : index
        %get3A_460 = tpu.vector_load %arg13[%get3A_458, %get3A_459] {strides = array<i32>} : memref<200x64xf32, #tpu.memory_space<vmem>>, vector<1x16xf32>,
        %get3A_461 = vector.shape_cast %get3A_460 : vector<1x16xf32> to vector<16xf32>
        %mul3A_462 = arith.constant 1.600000e+01 : f32
        %mul3A_463 = vector.broadcast %mul3A_462 : f32 to vector<16xf32>
        %mul3A_464 = arith.mulf %get3A_461, %mul3A_463 : vector<16xf32>
        %get3A_465 = arith.index_cast %add3A_423 : i32 to index
        %get3A_466 = arith.constant 32 : index
        %get3A_467 = tpu.vector_load %arg14[%get3A_465, %get3A_466] {strides = array<i32>} : memref<200x64xf32, #tpu.memory_space<vmem>>, vector<1x16xf32>,
        %get3A_468 = vector.shape_cast %get3A_467 : vector<1x16xf32> to vector<16xf32>
        %add3A_469 = arith.addf %mul3A_464, %get3A_468 : vector<16xf32>
        %swap3A_470 = arith.index_cast %add3A_423 : i32 to index
        %swap3A_471 = arith.constant 32 : index
        %swap3A_472 = tpu.vector_load %arg13[%swap3A_470, %swap3A_471] {strides = array<i32>} : memref<200x64xf32, #tpu.memory_space<vmem>>, vector<1x16xf32>,
        %swap3A_473 = vector.shape_cast %swap3A_472 : vector<1x16xf32> to vector<16xf32>
        %swap3A_474 = vector.shape_cast %add3A_469 : vector<16xf32> to vector<1x16xf32>
        tpu.vector_store %arg13[%swap3A_470, %swap3A_471], %swap3A_474 {strides = array<i32>} : memref<200x64xf32, #tpu.memory_space<vmem>>, vector<1x16xf32>,
        %get3A_475 = arith.index_cast %add3A_423 : i32 to index
        %get3A_476 = arith.constant 48 : index
        %get3A_477 = tpu.vector_load %arg13[%get3A_475, %get3A_476] {strides = array<i32>} : memref<200x64xf32, #tpu.memory_space<vmem>>, vector<1x16xf32>,
        %get3A_478 = vector.shape_cast %get3A_477 : vector<1x16xf32> to vector<16xf32>
        %mul3A_479 = arith.constant 1.600000e+01 : f32
        %mul3A_480 = vector.broadcast %mul3A_479 : f32 to vector<16xf32>
        %mul3A_481 = arith.mulf %get3A_478, %mul3A_480 : vector<16xf32>
        %get3A_482 = arith.index_cast %add3A_423 : i32 to index
        %get3A_483 = arith.constant 48 : index
        %get3A_484 = tpu.vector_load %arg14[%get3A_482, %get3A_483] {strides = array<i32>} : memref<200x64xf32, #tpu.memory_space<vmem>>, vector<1x16xf32>,
        %get3A_485 = vector.shape_cast %get3A_484 : vector<1x16xf32> to vector<16xf32>
        %add3A_486 = arith.addf %mul3A_481, %get3A_485 : vector<16xf32>
        %swap3A_487 = arith.index_cast %add3A_423 : i32 to index
        %swap3A_488 = arith.constant 48 : index
        %swap3A_489 = tpu.vector_load %arg13[%swap3A_487, %swap3A_488] {strides = array<i32>} : memref<200x64xf32, #tpu.memory_space<vmem>>, vector<1x16xf32>,
        %swap3A_490 = vector.shape_cast %swap3A_489 : vector<1x16xf32> to vector<16xf32>
        %swap3A_491 = vector.shape_cast %add3A_486 : vector<16xf32> to vector<1x16xf32>
        tpu.vector_store %arg13[%swap3A_487, %swap3A_488], %swap3A_491 {strides = array<i32>} : memref<200x64xf32, #tpu.memory_space<vmem>>, vector<1x16xf32>,
      }
      %scan3A_195 = arith.constant 50 : i32
      %add3A_196 = arith.addi %mul3A_2, %add3A_172 : i32
      %dma_start3A_197 = arith.constant 0 : i32
      %dma_start3A_198 = arith.constant 0 : i32
      %dma_start3A_199 = tpu.memref_slice %arg5[%add3A_196, %dma_start3A_197, %dma_start3A_198] : memref<4096x200x64xf32, #tpu.memory_space<hbm>> -> memref<1x200x64xf32, #tpu.memory_space<hbm>>
      %dma_start3A_200 = tpu.memref_squeeze %dma_start3A_199 : memref<1x200x64xf32, #tpu.memory_space<hbm>> -> memref<200x64xf32, #tpu.memory_space<hbm>>
      %dma_start3A_201 = arith.constant 0 : i32
      %dma_start3A_202 = arith.constant 0 : i32
      %dma_start3A_203 = tpu.memref_slice %arg5[%add3A_196, %dma_start3A_201, %dma_start3A_202] : memref<4096x200x64xf32, #tpu.memory_space<hbm>> -> memref<1x200x64xf32, #tpu.memory_space<hbm>>
      %dma_start3A_204 = tpu.memref_squeeze %dma_start3A_203 : memref<1x200x64xf32, #tpu.memory_space<hbm>> -> memref<200x64xf32, #tpu.memory_space<hbm>>
      tpu.enqueue_dma source(%arg13 : memref<200x64xf32, #tpu.memory_space<vmem>>) target(%dma_start3A_204 : memref<200x64xf32, #tpu.memory_space<hbm>>) target_semaphore(%arg26 : memref<!tpu.dma_semaphore, #tpu.memory_space<semaphore_mem>>)
    }
    %scan3A_30 = arith.constant 32 : i32
    %dma_wait3A_31 = arith.constant 0 : i32
    %dma_wait3A_32 = arith.constant 0 : i32
    %dma_wait3A_33 = tpu.memref_slice %arg5[%mul3A_2, %dma_wait3A_31, %dma_wait3A_32] : memref<4096x200x64xf32, #tpu.memory_space<hbm>> -> memref<1x200x64xf32, #tpu.memory_space<hbm>>
    %dma_wait3A_34 = tpu.memref_squeeze %dma_wait3A_33 : memref<1x200x64xf32, #tpu.memory_space<hbm>> -> memref<200x64xf32, #tpu.memory_space<hbm>>
    %dma_wait3A_35 = arith.constant 0 : i32
    %dma_wait3A_36 = arith.constant 0 : i32
    %dma_wait3A_37 = tpu.memref_slice %arg5[%mul3A_2, %dma_wait3A_35, %dma_wait3A_36] : memref<4096x200x64xf32, #tpu.memory_space<hbm>> -> memref<1x200x64xf32, #tpu.memory_space<hbm>>
    %dma_wait3A_38 = tpu.memref_squeeze %dma_wait3A_37 : memref<1x200x64xf32, #tpu.memory_space<hbm>> -> memref<200x64xf32, #tpu.memory_space<hbm>>
    tpu.wait_dma2 semaphore(%arg23 : memref<!tpu.dma_semaphore, #tpu.memory_space<semaphore_mem>>) src(%arg10 : memref<200x64xf32, #tpu.memory_space<vmem>>) dst(%dma_wait3A_38 : memref<200x64xf32, #tpu.memory_space<hbm>>)
    %dma_wait3A_39 = arith.constant 0 : i32
    %dma_wait3A_40 = arith.constant 0 : i32
    %dma_wait3A_41 = tpu.memref_slice %arg5[%mul3A_2, %dma_wait3A_39, %dma_wait3A_40] : memref<4096x200x64xf32, #tpu.memory_space<hbm>> -> memref<1x200x64xf32, #tpu.memory_space<hbm>>
    %dma_wait3A_42 = tpu.memref_squeeze %dma_wait3A_41 : memref<1x200x64xf32, #tpu.memory_space<hbm>> -> memref<200x64xf32, #tpu.memory_space<hbm>>
    %dma_wait3A_43 = arith.constant 0 : i32
    %dma_wait3A_44 = arith.constant 0 : i32
    %dma_wait3A_45 = tpu.memref_slice %arg5[%mul3A_2, %dma_wait3A_43, %dma_wait3A_44] : memref<4096x200x64xf32, #tpu.memory_space<hbm>> -> memref<1x200x64xf32, #tpu.memory_space<hbm>>
    %dma_wait3A_46 = tpu.memref_squeeze %dma_wait3A_45 : memref<1x200x64xf32, #tpu.memory_space<hbm>> -> memref<200x64xf32, #tpu.memory_space<hbm>>
    tpu.wait_dma2 semaphore(%arg24 : memref<!tpu.dma_semaphore, #tpu.memory_space<semaphore_mem>>) src(%arg11 : memref<200x64xf32, #tpu.memory_space<vmem>>) dst(%dma_wait3A_46 : memref<200x64xf32, #tpu.memory_space<hbm>>)
    %dma_wait3A_47 = arith.constant 0 : i32
    %dma_wait3A_48 = arith.constant 0 : i32
    %dma_wait3A_49 = tpu.memref_slice %arg5[%mul3A_2, %dma_wait3A_47, %dma_wait3A_48] : memref<4096x200x64xf32, #tpu.memory_space<hbm>> -> memref<1x200x64xf32, #tpu.memory_space<hbm>>
    %dma_wait3A_50 = tpu.memref_squeeze %dma_wait3A_49 : memref<1x200x64xf32, #tpu.memory_space<hbm>> -> memref<200x64xf32, #tpu.memory_space<hbm>>
    %dma_wait3A_51 = arith.constant 0 : i32
    %dma_wait3A_52 = arith.constant 0 : i32
    %dma_wait3A_53 = tpu.memref_slice %arg5[%mul3A_2, %dma_wait3A_51, %dma_wait3A_52] : memref<4096x200x64xf32, #tpu.memory_space<hbm>> -> memref<1x200x64xf32, #tpu.memory_space<hbm>>
    %dma_wait3A_54 = tpu.memref_squeeze %dma_wait3A_53 : memref<1x200x64xf32, #tpu.memory_space<hbm>> -> memref<200x64xf32, #tpu.memory_space<hbm>>
    tpu.wait_dma2 semaphore(%arg25 : memref<!tpu.dma_semaphore, #tpu.memory_space<semaphore_mem>>) src(%arg12 : memref<200x64xf32, #tpu.memory_space<vmem>>) dst(%dma_wait3A_54 : memref<200x64xf32, #tpu.memory_space<hbm>>)
    %dma_wait3A_55 = arith.constant 0 : i32
    %dma_wait3A_56 = arith.constant 0 : i32
    %dma_wait3A_57 = tpu.memref_slice %arg5[%mul3A_2, %dma_wait3A_55, %dma_wait3A_56] : memref<4096x200x64xf32, #tpu.memory_space<hbm>> -> memref<1x200x64xf32, #tpu.memory_space<hbm>>
    %dma_wait3A_58 = tpu.memref_squeeze %dma_wait3A_57 : memref<1x200x64xf32, #tpu.memory_space<hbm>> -> memref<200x64xf32, #tpu.memory_space<hbm>>
    %dma_wait3A_59 = arith.constant 0 : i32
    %dma_wait3A_60 = arith.constant 0 : i32
    %dma_wait3A_61 = tpu.memref_slice %arg5[%mul3A_2, %dma_wait3A_59, %dma_wait3A_60] : memref<4096x200x64xf32, #tpu.memory_space<hbm>> -> memref<1x200x64xf32, #tpu.memory_space<hbm>>
    %dma_wait3A_62 = tpu.memref_squeeze %dma_wait3A_61 : memref<1x200x64xf32, #tpu.memory_space<hbm>> -> memref<200x64xf32, #tpu.memory_space<hbm>>
    tpu.wait_dma2 semaphore(%arg26 : memref<!tpu.dma_semaphore, #tpu.memory_space<semaphore_mem>>) src(%arg13 : memref<200x64xf32, #tpu.memory_space<vmem>>) dst(%dma_wait3A_62 : memref<200x64xf32, #tpu.memory_space<hbm>>)
    return
  }
}

</mosaic_0001>

<sc_bundles>
// kernel: kernel.3.cloned.1.call-start
scs
__scs_entry_jumppad:
0x0: {  	(pc) =	sbr.rel $0x88, $3  }
0x1: {  	(tag) =	ssettag $0x0;
	lr =	simm.s32 $0x1  }
0x2: {  	[smem:$0x3F9F] =	sst lr;
	_ =	strace $0xD0000000  }
0x3: {  	_ = 	snop  }
0x4: {  	_ = 	snop  }
0x5: {  	_ = 	snop  }
0x6: {  	_ = 	snop  }
0x7: {  	_ = 	snop  }
__scs_overlays_trampoline_lowered:
0x8: {  	[smem:$0x3FAE] =	sst s0  }
0x9: {  	[smem:$0x3FAF] =	sst s1  }
0xa: {  	[smem:$0x3FB0] =	sst s2  }
0xb: {  	[smem:$0x3FB1] =	sst s3  }
0xc: {  	[smem:$0x3FB2] =	sst s4  }
0xd: {  	[smem:$0x3FB3] =	sst s5  }
0xe: {  	[smem:$0x3FB4] =	sst s6  }
0xf: {  	[smem:$0x3FB5] =	sst s7  }
0x10: {  	[smem:$0x3FB6] =	sst s8  }
0x11: {  	[smem:$0x3FB7] =	sst s9;
	s0 =	simm.s32 @!p0 $0x0  }
0x12: {  	s1 =	sld [smem:$0x3F9D];
	s0 =	simm.s32 @p0 $0x1  }
0x13: {  	[smem:$0x3FB8] =	sst s0;
	s0 =	simm.s32 @!p1 $0x0  }
0x14: {  	s2 =	sld [smem:$0x3F9C];
	s0 =	simm.s32 @p1 $0x1  }
0x15: {  	[smem:$0x3FB9] =	sst s0;
	s0 =	simm.s32 @!p2 $0x0  }
0x16: {  	s3 =	sld [smem:$0x3FDB];
	s0 =	simm.s32 @p2 $0x1  }
0x17: {  	s4 =	simm.s32 $0x1BF5;
	[smem:$0x3FBB] =	sst s0  }
0x18: {  	s0 =	sld [smem:$0x3F9E];
	_ =	swait.ge [sflag:s4], $0x0  }
0x19: {  	s7 =	sld [smem:$0x3F9F]  }
0x1a: {  	s8 =	sadd.s32 $0xFFFFE003, lr  }
0x1b: {  	s9 =	sadd.s32 $0xFFFFFEF7, lr;
	s5 =	simm.s32 $0xFFFFFFFF;
	p2 =	slt.u32 s8, $0xFFFFF086  }
0x1c: {  	p1 =	slt.u32 s9, $0xF7A;
	s5 =	simm.s32 @!p2 $0x0  }
0x1d: {  	s5 =	simm.s32 @p1 $0x1;
	p0 =	seq.s32 s7, s2  }
0x1e: {  	s7 =	smul.u32 @!p0 $0xF7A, s2;
	p2 =	seq.s32 @!p0 s5, $0x0  }
0x1f: {  	s9 =	smul.u32 $0xF7A, s1;
	s8 =	simm.s32 @!p0 $0x1BF5;
	p2 =	por !p2, p0  }
0x20: {  	[sflag:s8] =	ssyncset.s32 @!p0 $0xFFFFF086;
	s6 =	sadd.s32 @!p0 s3, s7;
	s7 =	simm.s32 @!p0 $0x108  }
0x21: {  	s3 =	sadd.s32 s3, s9;
	s6 =	sadd.s32 @!p0 $0x88, s6;
	s7 =	simm.s32 @p2 $0x1082  }
0x22: {  	[simem:s7], [sflag:s8] =	dma.local @!p0 [hbm:s6], $0xF7A  }
0x23: {  	s9 =	sor.u32 $0xD0000000, s2;
	s6 =	simm.s32 $0x108;
	_ =	swait.ge @!p0 [sflag:s8], $0x0  }
0x24: {  	s3 =	sadd.s32 $0x88, s3;
	s6 =	simm.s32 @!p1 $0x1082;
	[sflag:s4] =	ssyncset.s32 $0xFFFFF086  }
0x25: {  	[simem:s6], [sflag:s4] =	dma.local [hbm:s3], $0xF7A  }
0x26: {  	[smem:$0x3F9F] =	sst s1;
	(tag) =	ssettag s2;
	_ =	strace s9  }
0x27: {  	s1 =	sld [smem:$0x3FAF]  }
0x28: {  	s2 =	sld [smem:$0x3FB0]  }
0x29: {  	s4 =	sld [smem:$0x3FB2]  }
0x2a: {  	p0 =	seq.s32 s5, $0x0;
	s5 =	sld [smem:$0x3FB3]  }
0x2b: {  	s6 =	sld [smem:$0x3FB4]  }
0x2c: {  	s7 =	sld [smem:$0x3FB5]  }
0x2d: {  	s3 =	simm.s32 $0x108;
	s8 =	sld [smem:$0x3FB6]  }
0x2e: {  	s3 =	simm.s32 @!p0 $0x1082;
	s9 =	sld [smem:$0x3FB7]  }
0x2f: {  	lr =	sadd.s32 s0, s3;
	s0 =	sld [smem:$0x3FAE]  }
0x30: {  	s3 =	sld [smem:$0x3FB1]  }
0x31: {  	[smem:$0x3FBA] =	sst s10  }
0x32: {  	s10 =	sld [smem:$0x3FB8];
	_ =	sdelay $0x3  }
0x33: {  	p0 =	seq.s32 s10, $0x1;
	s10 =	sld [smem:$0x3FBA];
	_ =	sdelay $0x3  }
0x34: {  	[smem:$0x3FBA] =	sst s10  }
0x35: {  	s10 =	sld [smem:$0x3FB9];
	_ =	sdelay $0x3  }
0x36: {  	p1 =	seq.s32 s10, $0x1;
	s10 =	sld [smem:$0x3FBA];
	_ =	sdelay $0x3  }
0x37: {  	[smem:$0x3FBA] =	sst s10  }
0x38: {  	s10 =	sld [smem:$0x3FBB]  }
0x39: {  	_ = 	snop;
	(pc) =	sbr.ind lr, $3  }
0x3a: {  	_ = 	snop  }
0x3b: {  	_ = 	snop  }
0x3c: {  	p2 =	seq.s32 s10, $0x1;
	s10 =	sld [smem:$0x3FBA]  }
0x3d: {  	_ =	shalt  }
0x3e: {  	_ =	shalt  }
0x3f: {  	_ =	shalt  }
0x40: {  	_ =	shalt  }
0x41: {  	_ =	shalt  }
0x42: {  	_ =	shalt  }
0x43: {  	_ =	shalt  }
0x44: {  	_ =	shalt  }
0x45: {  	_ =	shalt  }
0x46: {  	_ =	shalt  }
0x47: {  	_ =	shalt  }
0x48: {  	_ =	shalt  }
0x49: {  	_ =	shalt  }
0x4a: {  	_ =	shalt  }
0x4b: {  	_ =	shalt  }
0x4c: {  	_ =	shalt  }
0x4d: {  	_ =	shalt  }
0x4e: {  	_ =	shalt  }
0x4f: {  	_ =	shalt  }
0x50: {  	_ =	shalt  }
0x51: {  	_ =	shalt  }
0x52: {  	_ =	shalt  }
0x53: {  	_ =	shalt  }
0x54: {  	_ =	shalt  }
0x55: {  	_ =	shalt  }
0x56: {  	_ =	shalt  }
0x57: {  	_ =	shalt  }
0x58: {  	_ =	shalt  }
0x59: {  	_ =	shalt  }
0x5a: {  	_ =	shalt  }
0x5b: {  	_ =	shalt  }
0x5c: {  	_ =	shalt  }
0x5d: {  	_ =	shalt  }
0x5e: {  	_ =	shalt  }
0x5f: {  	_ =	shalt  }
0x60: {  	_ =	shalt  }
0x61: {  	_ =	shalt  }
0x62: {  	_ =	shalt  }
0x63: {  	_ =	shalt  }
0x64: {  	_ =	shalt  }
0x65: {  	_ =	shalt  }
0x66: {  	_ =	shalt  }
0x67: {  	_ =	shalt  }
0x68: {  	_ =	shalt  }
0x69: {  	_ =	shalt  }
0x6a: {  	_ =	shalt  }
0x6b: {  	_ =	shalt  }
0x6c: {  	_ =	shalt  }
0x6d: {  	_ =	shalt  }
0x6e: {  	_ =	shalt  }
0x6f: {  	_ =	shalt  }
0x70: {  	_ =	shalt  }
0x71: {  	_ =	shalt  }
0x72: {  	_ =	shalt  }
0x73: {  	_ =	shalt  }
0x74: {  	_ =	shalt  }
0x75: {  	_ =	shalt  }
0x76: {  	_ =	shalt  }
0x77: {  	_ =	shalt  }
0x78: {  	_ =	shalt  }
0x79: {  	_ =	shalt  }
0x7a: {  	_ =	shalt  }
0x7b: {  	_ =	shalt  }
0x7c: {  	_ =	shalt  }
0x7d: {  	_ =	shalt  }
0x7e: {  	_ =	shalt  }
0x7f: {  	_ =	shalt  }
0x80: {  	_ =	shalt  }
0x81: {  	_ =	shalt  }
0x82: {  	_ =	shalt  }
0x83: {  	_ =	shalt  }
0x84: {  	_ =	shalt  }
0x85: {  	_ =	shalt  }
0x86: {  	_ =	shalt  }
0x87: {  	_ =	shalt  }
.Lfunc_end0:
.L_simem_size_0:
called_computation.1_lowered:
.L_overlay_start_0:
0x88: {  	s2 =	sld [smem:$0x3FD9]  }
0x89: {  	s3 =	sld [smem:$0x3FFE];
	_ =	sdelay $0x1  }
0x8a: {  	s1 =	srdreg.scid  }
0x8b: {  	s0 =	sand.u32 $0x1, s1  }
0x8c: {  	s17 =	sshll.u32 s0, $0xA;
	s2 =	sadd.s32 s3, s2  }
0x8d: {  	s2 =	sadd.s32 s2, s17  }
0x8e: {  	[smem:$0x3FC6] =	sst s2  }
0x8f: {  	_ = 	snop  }
0x90: {  	s2 =	sld [smem:$0x3FD0];
	(tm) =	ssettm $0x1  }
0x91: {  	s18 =	sld [smem:$0x3FFB];
	_ =	sdelay $0x3  }
0x92: {  	_ =	strace s18  }
0x93: {  	s3 =	sld [smem:$0x3FFC];
	_ =	sdelay $0x3  }
0x94: {  	_ =	strace s3  }
0x95: {  	s3 =	sld [smem:$0x3FFD];
	_ =	sdelay $0x3  }
0x96: {  	_ =	strace s3  }
0x97: {  	_ =	strace $0x8FFFFFFF  }
0x98: {  	s19 =	sld [smem:$0x3FDB];
	_ =	sdelay $0x1  }
0x99: {  	s4 =	simm.s32 $_scs_section_size  }
0x9a: {  	s5 =	simm.s32 $_size__tile_overlayer_lowered;
	s6 =	simm.s32 $_tile_overlayer_lowered  }
0x9b: {  	s22 =	simm.s32 $0x1BFF;
	s21 =	sshll.u32 s6, $0x1;
	s3 =	sadd.s32 s4, s19  }
0x9c: {  	s7 =	simm.s32 $0x0;
	s20 =	sshll.u32 s5, $0x1;
	s5 =	sadd.s32 s21, s3  }
0x9d: {  	[timem:s7], [sflag:s22] =	dma.local [hbm:s5], s20  }
0x9e: {  	_ =	swait.ge [sflag:s22], s20  }
0x9f: {  	s4 =	ssub.s32 $0x0, s20;
	[sflag:s22] =	ssyncset.done $0x0  }
0xa0: {  	[sflag:s22] =	ssyncadd.s32 s4;
	_ =	sdelay $0x1  }
0xa1: {  	s23 =	simm.s32 $0x1B8B  }
0xa2: {  	_ =	swait.ge [sflag:s23], $0x1  }
0xa3: {  	[sflag:s23] =	ssyncset.done $0x0  }
0xa4: {  	s25 =	simm.s32 $0x1B8E;
	s24 =	sld [smem:$0x3FFE];
	[sflag:s23] =	ssyncadd.s32 $0xFFFFFFFF  }
0xa5: {  	s26 =	simm.s32 $execute0_lowered;
	[smem:$0x3FD2] =	sst s25  }
0xa6: {  	s5 =	sshll.u32 s26, $0x1;
	_ =	strace $0x80000046;
	[dreg:$0x1] =	wrdreg $0xFFFFFFFF  }
0xa7: {  	s28 =	simm.s32 $_size_execute0_lowered;
	s3 =	sadd.s32 s3, s5;
	[dreg:$0x0] =	wrdreg $0x0  }
0xa8: {  	s5 =	sshll.u32 s28, $0x1;
	[dreg:$0x2] =	wrdreg s3  }
0xa9: {  	[dreg:$0x3] =	wrdreg s5  }
0xaa: {  	[dreg:$0x4] =	wrdreg $0xC0  }
0xab: {  	_ =	task [dreg:s7], $0x5FFFF  }
0xac: {  	[dreg:$0x1] =	wrdreg $0xFFFFFFFF  }
0xad: {  	[dreg:$0x0] =	wrdreg $0x60  }
0xae: {  	[dreg:$0x2] =	wrdreg s24  }
0xaf: {  	[dreg:$0x3] =	wrdreg s2  }
0xb0: {  	[dreg:$0x4] =	wrdreg $0x9  }
0xb1: {  	_ =	task.clear_ibuf [dreg:s7], $0x5FFFF;
	_ =	strace $0x90000046  }
0xb2: {  	s29 =	simm.s32 $0x9;
	_ =	strace $0x80000048  }
0xb3: {  	_ =	swait.ge [sflag:s29], $0x1  }
0xb4: {  	[sflag:s29] =	ssyncadd.s32 $0xFFFFFFFF  }
0xb5: {  	_ =	strace $0x90000048  }
0xb6: {  	_ =	sfence  }
0xb7: {  	s30 =	sld [smem:$0x0];
	_ =	sdelay $0x2  }
0xb8: {  	s31 =	sshll.u32 s1, $0xD;
	s1 =	sshrl.u32 s1, $0x2  }
0xb9: {  	s3 =	sand.u32 $0x4000, s31;
	s1 =	sadd.s32 s1, s30  }
0xba: {  	s0 =	sor.u32 s3, s0;
	s1 =	sshll.u32 s1, $0x11  }
0xbb: {  	s0 =	sor.u32 s1, s0  }
0xbc: {  	s0 =	sadd.s32 $0x8F2B, s0  }
0xbd: {  	[sflag:s0] =	ssyncadd.remote.s32 $0x1  }
0xbe: {  	_ =	sfence.sel $0xFFFF  }
0xbf: {  	[dreg:$0x0] =	wrdreg $0xFFFFFFFF;
	(pc) =	sbr.abs _section_cstart, $3  }
0xc0: {  	[dreg:$0x1] =	wrdreg $0xFFFFFFFF  }
0xc1: {  	_ =	task.clear_ibuf [dreg:s7], $0x2FFFF;
	_ =	strace $0x9FFFFFFF  }
0xc2: {  	(tm) =	ssettm $0x7FFFFFFF  }
0xc3: {  	_ =	shalt  }
tec
execute0_lowered:
.L_overlay_start_1:
0x0: {  	(tag) =	ssettag $0x1  }
0x1: {  	s0 =	rddreg [dreg:$0x0]  }
0x2: {  	s2 =	rddreg [dreg:$0x1]  }
0x3: {  	s1 =	srdreg.scid;
	s4 =	stileid.u32  }
0x4: {  	s3 =	simm.s32 $0x0;
	s15 =	simm.s32 $0xC8;
	s17 =	simm.s32 $0x320  }
0x5: {  	s18 =	simm.s32 $0x190;
	s19 =	simm.s32 $0x2;
	s20 =	simm.s32 $0x3520  }
0x6: {  	s21 =	simm.s32 $0x5;
	s22 =	simm.s32 $0x258;
	s23 =	simm.s32 $0x3  }
0x7: {  	s24 =	simm.s32 $0x6720;
	s28 =	simm.s32 $0xC;
	s29 =	simm.s32 $0x9920  }
0x8: {  	s30 =	simm.s32 $0x7;
	s1 =	sand.u32 $0x1, s1;
	s4 =	sshll.u32 s4, $0x8  }
0x9: {  	[smem:$0x7FF] =	sst s3;
	s6 =	sadd.s32 $0xF43000, s0;
	s5 =	sshll.u32 s1, $0x7  }
0xa: {  	_ =	strace $0x80000047;
	s1 =	ssub.s32 $0x2, s1;
	s4 =	sor.u32 s5, s4  }
0xb: {  	s5 =	sadd.s32 $0xC00, s0;
	s0 =	sadd.s32 $0x19C00, s0;
	s25 =	sshrl.u32 s1, $0x1  }
0xc: {  	s7 =	smul.u32 $0x19, s4;
	[dreg:$0x3] =	wrdreg s0;
	s0 =	ssub.s32 s1, s25  }
0xd: {  	s31 =	simm.s32 $0x8;
	s10 =	sor.u32 $0x4, s4;
	s0 =	smax.u32 s0, $0x1  }
0xe: {  	s11 =	sor.u32 $0x5, s4;
	s7 =	sadd.s32 s5, s7;
	[dreg:$0x6] =	wrdreg s0  }
0xf: {  	s25 =	simm.s32 $0x6;
	[dreg:$0x4] =	wrdreg s7;
	s26 =	sadd.s32 $0x19, s7  }
0x10: {  	s7 =	simm.s32 $0x0;
	[dreg:$0x5] =	wrdreg s26;
	s26 =	simm.s32 $0x4  }
.LBB2_1:
0x11: {  	s0 =	rddreg [dreg:$0x3];
	s1 =	simm.s32 $0xCB20;
	s12 =	simm.s32 $0xD  }
0x12: {  	[tilespmem:s1], [sflag:$0xD] =	stream.linear.gather [hbm4b:s0+s3], $0x3200, $0x38;
	[tilespmem:$0xFD20] =	vst v63  }
0x13: {  	_ =	swait.ge [sflag:s12], $0x3200  }
0x14: {  	[sflag:s12] =	ssyncset.done $0x0  }
0x15: {  	s13 =	rddreg [dreg:$0x4];
	[sflag:s12] =	ssyncadd.s32 $0xFFFFCE00  }
0x16: {  	[tilespmem:s3], [sflag:$0x1] =	stream.linear.gather [hbm4b:s13+s3], $0xC8, $0x38;
	[tilespmem:$0xFD20] =	vst v63  }
0x17: {  	s16 =	simm.s32 $0x1;
	s14 =	rddreg [dreg:$0x5]  }
0x18: {  	[tilespmem:s15], [sflag:$0x2] =	stream.linear.gather [hbm4b:s14+s3], $0xC8, $0x38;
	[tilespmem:$0xFD20] =	vst v63  }
0x19: {  	_ =	swait.ge [sflag:s16], $0xC8  }
0x1a: {  	[sflag:s16] =	ssyncset.done $0x0  }
0x1b: {  	s9 =	simm.s32 $0x0;
	[sflag:s16] =	ssyncadd.s32 $0xFFFFFF38  }
0x1c: {  	[tilespmem:s17], [sflag:$0x5] =	stream.indirect.gather [hbm4b:s6+s15], $0x40, s3, s15, $0xb8;
	[tilespmem:$0xFD20] =	vst v63  }
.LBB2_2:
0x1d: {  	s12 =	sshll.u32 s9, $0x2  }
0x1e: {  	s8 =	sor.u32 s12, s4  }
0x1f: {  	s14 =	sor.u32 $0x2, s8  }
0x20: {  	s0 =	smul.u32 $0x19, s14;
	_ =	sdelay $0x1  }
0x21: {  	s0 =	sadd.s32 s5, s0  }
0x22: {  	[tilespmem:s18], [sflag:$0x3] =	stream.linear.gather [hbm4b:s0+s3], $0xC8, $0x38;
	[tilespmem:$0xFD20] =	vst v63  }
0x23: {  	_ =	swait.ge [sflag:s19], $0xC8  }
0x24: {  	p0 =	seq.s32 s9, $0x0;
	[sflag:s19] =	ssyncset.done $0x0  }
0x25: {  	s0 =	simm.s32 @!p0 $0xA;
	[sflag:s19] =	ssyncadd.s32 $0xFFFFFF38  }
0x26: {  	_ =	swait.ge @!p0 [sflag:s0], $0x3200  }
0x27: {  	[sflag:s0] =	ssyncset.done @!p0 $0x0  }
0x28: {  	[sflag:s0] =	ssyncadd.s32 @!p0 $0xFFFFCE00  }
0x29: {  	[tilespmem:s20], [sflag:$0x6] =	stream.indirect.gather [hbm4b:s6+s15], $0x40, s15, s15, $0xb8;
	[tilespmem:$0xFD20] =	vst v63  }
0x2a: {  	_ =	swait.ge [sflag:s21], $0x3200  }
0x2b: {  	[sflag:s21] =	ssyncset.done $0x0  }
0x2c: {  	s0 =	simm.s32 $0x0;
	[sflag:s21] =	ssyncadd.s32 $0xFFFFCE00  }
0x2d: {  	v6 =	vld [tilespmem:s0+$0xCB20]  }
0x2e: {  	v7 =	vld [tilespmem:s0+$0xCB30]  }
0x2f: {  	v8 =	vld [tilespmem:s0+$0xCB40]  }
0x30: {  	v9 =	vld [tilespmem:s0+$0xCB50]  }
0x31: {  	v10 =	vld [tilespmem:s0+$0xCB60]  }
0x32: {  	v11 =	vld [tilespmem:s0+$0xCB70]  }
0x33: {  	v12 =	vld [tilespmem:s0+$0xCB80]  }
0x34: {  	v14 =	vld [tilespmem:s0+$0xCB90]  }
0x35: {  	v5 =	vld [tilespmem:s0+$0xCBA0]  }
0x36: {  	v4 =	vld [tilespmem:s0+$0xCBB0]  }
0x37: {  	v3 =	vld [tilespmem:s0+$0xCBC0]  }
0x38: {  	v2 =	vld [tilespmem:s0+$0xCBD0]  }
0x39: {  	v1 =	vld [tilespmem:s0+$0xCBE0]  }
0x3a: {  	v15 =	vld [tilespmem:s0+$0x330]  }
0x3b: {  	v13 =	vld [tilespmem:s0+$0x320]  }
0x3c: {  	v16 =	vld [tilespmem:s0+$0x340]  }
0x3d: {  	v0 =	vld [tilespmem:s0+$0xCBF0]  }
0x3e: {  	v18 =	vld [tilespmem:s0+$0x360]  }
0x3f: {  	v17 =	vld [tilespmem:s0+$0x350];
	v15 =	vmul.f32 $1.600000000e+01, v15  }
0x40: {  	v19 =	vld [tilespmem:s0+$0x370];
	v13 =	vmul.f32 $1.600000000e+01, v13  }
0x41: {  	v20 =	vld [tilespmem:s0+$0x380];
	v7 =	vadd.f32 v7, v15;
	v15 =	vmul.f32 $1.600000000e+01, v16  }
0x42: {  	v6 =	vadd.f32 v6, v13;
	v13 =	vld [tilespmem:s0+$0x390]  }
0x43: {  	v21 =	vld [tilespmem:s0+$0x3A0];
	v8 =	vadd.f32 v8, v15;
	v15 =	vmul.f32 $1.600000000e+01, v18  }
0x44: {  	v62 =	vld [tilespmem:s0+$0x3B0];
	v17 =	vmul.f32 $1.600000000e+01, v17;
	[tilespmem:s0+$0x320] =	vst v6  }
0x45: {  	v63 =	vmul.f32 $1.600000000e+01, v19;
	[tilespmem:s0+$0x330] =	vst v7;
	v6 =	vld [tilespmem:s0+$0x3C0];
	v10 =	vadd.f32 v10, v15  }
0x46: {  	v9 =	vadd.f32 v9, v17;
	v7 =	vld [tilespmem:s0+$0x3D0];
	[tilespmem:s0+$0x340] =	vst v8;
	v15 =	vmul.f32 $1.600000000e+01, v20  }
0x47: {  	v11 =	vadd.f32 v11, v63;
	v8 =	vld [tilespmem:s0+$0x3E0];
	[tilespmem:s0+$0x360] =	vst v10;
	v10 =	vmul.f32 $1.600000000e+01, v13  }
0x48: {  	[tilespmem:s0+$0x350] =	vst v9;
	v9 =	vld [tilespmem:s0+$0x3F0];
	v12 =	vadd.f32 v12, v15;
	v13 =	vmul.f32 $1.600000000e+01, v21  }
0x49: {  	s1 =	simm.s32 $0x400;
	s16 =	sor.u32 $0x1, s12;
	[tilespmem:s0+$0x370] =	vst v11;
	v11 =	vmul.f32 $1.600000000e+01, v62;
	v14 =	vadd.f32 v14, v10;
	v10 =	vld [tilespmem:s0+$0x400]  }
.LBB2_3:
0x4a: {  	p1 =	sne.s32 s1, $0xC400;
	[tilespmem:s0+$0x380] =	vst v12;
	v5 =	vadd.f32 v5, v13;
	v6 =	vmul.f32 $1.600000000e+01, v6;
	v12 =	vld [tilespmem:s0+$0x410]  }
0x4b: {  	[tilespmem:s0+$0x390] =	vst v14;
	v4 =	vadd.f32 v4, v11;
	v7 =	vmul.f32 $1.600000000e+01, v7;
	v11 =	vld [tilespmem:s0+$0xCC00]  }
0x4c: {  	s13 =	sshra.s32 s1, $0x2;
	[tilespmem:s0+$0x3A0] =	vst v5;
	v3 =	vadd.f32 v3, v6;
	v5 =	vmul.f32 $1.600000000e+01, v8;
	v6 =	vld [tilespmem:s0+$0xCC10]  }
0x4d: {  	v8 =	vld [tilespmem:s13+$0xCB20];
	[tilespmem:s0+$0x3B0] =	vst v4;
	v2 =	vadd.f32 v2, v7;
	v4 =	vmul.f32 $1.600000000e+01, v9  }
0x4e: {  	v7 =	vld [tilespmem:s13+$0xCB30];
	[tilespmem:s0+$0x3C0] =	vst v3;
	v1 =	vadd.f32 v1, v5;
	v3 =	vmul.f32 $1.600000000e+01, v10  }
0x4f: {  	v9 =	vld [tilespmem:s13+$0xCB40];
	[tilespmem:s0+$0x3D0] =	vst v2;
	v0 =	vadd.f32 v0, v4;
	v2 =	vmul.f32 $1.600000000e+01, v12  }
0x50: {  	v10 =	vld [tilespmem:s13+$0xCB50];
	[tilespmem:s0+$0x3E0] =	vst v1;
	v1 =	vadd.f32 v11, v3  }
0x51: {  	v11 =	vld [tilespmem:s13+$0xCB60];
	[tilespmem:s0+$0x3F0] =	vst v0;
	v0 =	vadd.f32 v6, v2  }
0x52: {  	v12 =	vld [tilespmem:s13+$0xCB70];
	[tilespmem:s0+$0x400] =	vst v1  }
0x53: {  	v13 =	vld [tilespmem:s13+$0xCB80];
	[tilespmem:s0+$0x410] =	vst v0;
	s0 =	smov.u32 s13  }
0x54: {  	v14 =	vld [tilespmem:s0+$0xCB90]  }
0x55: {  	v5 =	vld [tilespmem:s0+$0xCBA0]  }
0x56: {  	v4 =	vld [tilespmem:s0+$0xCBB0]  }
0x57: {  	v3 =	vld [tilespmem:s0+$0xCBC0]  }
0x58: {  	v2 =	vld [tilespmem:s0+$0xCBD0]  }
0x59: {  	v1 =	vld [tilespmem:s0+$0xCBE0]  }
0x5a: {  	v0 =	vld [tilespmem:s0+$0xCBF0]  }
0x5b: {  	v6 =	vld [tilespmem:s0+$0x320]  }
0x5c: {  	v15 =	vld [tilespmem:s0+$0x330]  }
0x5d: {  	v16 =	vld [tilespmem:s0+$0x340]  }
0x5e: {  	v17 =	vld [tilespmem:s0+$0x350]  }
0x5f: {  	v18 =	vld [tilespmem:s0+$0x360]  }
0x60: {  	v6 =	vmul.f32 $1.600000000e+01, v6;
	v19 =	vld [tilespmem:s0+$0x370]  }
0x61: {  	v15 =	vmul.f32 $1.600000000e+01, v15;
	v20 =	vld [tilespmem:s0+$0x380]  }
0x62: {  	v6 =	vadd.f32 v8, v6;
	v8 =	vmul.f32 $1.600000000e+01, v16;
	v16 =	vld [tilespmem:s0+$0x390]  }
0x63: {  	v7 =	vadd.f32 v7, v15;
	v15 =	vmul.f32 $1.600000000e+01, v17;
	v17 =	vld [tilespmem:s0+$0x3A0]  }
0x64: {  	[tilespmem:s0+$0x320] =	vst v6;
	v8 =	vadd.f32 v9, v8;
	v9 =	vmul.f32 $1.600000000e+01, v18;
	v18 =	vld [tilespmem:s0+$0x3B0]  }
.Ltmp0:
0x65: {  	[tilespmem:s0+$0x330] =	vst v7;
	v10 =	vadd.f32 v10, v15;
	v15 =	vmul.f32 $1.600000000e+01, v19;
	v6 =	vld [tilespmem:s0+$0x3C0];
	(pc) =	sbr.rel @p1 .LBB2_3-.Ltmp0, $4  }
0x66: {  	[tilespmem:s0+$0x340] =	vst v8;
	v9 =	vadd.f32 v11, v9;
	v11 =	vmul.f32 $1.600000000e+01, v20;
	v7 =	vld [tilespmem:s0+$0x3D0]  }
0x67: {  	[tilespmem:s0+$0x350] =	vst v10;
	v10 =	vadd.f32 v12, v15;
	v15 =	vmul.f32 $1.600000000e+01, v16;
	v8 =	vld [tilespmem:s0+$0x3E0]  }
0x68: {  	[tilespmem:s0+$0x360] =	vst v9;
	v12 =	vadd.f32 v13, v11;
	v13 =	vmul.f32 $1.600000000e+01, v17;
	v9 =	vld [tilespmem:s0+$0x3F0]  }
0x69: {  	s1 =	sadd.s32 $0x400, s1;
	[tilespmem:s0+$0x370] =	vst v10;
	v14 =	vadd.f32 v14, v15;
	v11 =	vmul.f32 $1.600000000e+01, v18;
	v10 =	vld [tilespmem:s0+$0x400]  }
0x6a: {  	[tilespmem:s0+$0x380] =	vst v12;
	v12 =	vld [tilespmem:s0+$0x410];
	v5 =	vadd.f32 v5, v13;
	v6 =	vmul.f32 $1.600000000e+01, v6  }
0x6b: {  	v13 =	vld [tilespmem:s0+$0xCC00];
	[tilespmem:s0+$0x390] =	vst v14;
	v4 =	vadd.f32 v4, v11;
	v7 =	vmul.f32 $1.600000000e+01, v7  }
0x6c: {  	[tilespmem:s0+$0x3A0] =	vst v5;
	v3 =	vadd.f32 v3, v6;
	v5 =	vmul.f32 $1.600000000e+01, v8;
	v6 =	vld [tilespmem:s0+$0xCC10]  }
0x6d: {  	[tilespmem:s0+$0x3B0] =	vst v4;
	v2 =	vadd.f32 v2, v7;
	v4 =	vmul.f32 $1.600000000e+01, v9  }
0x6e: {  	[tilespmem:s0+$0x3C0] =	vst v3;
	v1 =	vadd.f32 v1, v5;
	v3 =	vmul.f32 $1.600000000e+01, v10  }
0x6f: {  	[tilespmem:s0+$0x3D0] =	vst v2;
	v0 =	vadd.f32 v0, v4;
	v2 =	vmul.f32 $1.600000000e+01, v12  }
0x70: {  	s1 =	sadd.s32 s4, s12;
	[tilespmem:s0+$0x3E0] =	vst v1;
	v1 =	vadd.f32 v13, v3  }
0x71: {  	s1 =	smul.u32 $0x640, s1;
	[tilespmem:s0+$0x3F0] =	vst v0;
	v0 =	vadd.f32 v6, v2  }
0x72: {  	s8 =	sor.u32 $0x3, s8;
	[tilespmem:s0+$0x400] =	vst v1  }
0x73: {  	s13 =	smul.u32 $0x19, s8;
	s1 =	sadd.s32 s2, s1;
	[tilespmem:s0+$0x410] =	vst v0  }
0x74: {  	[hbm4b:s1+s3] =	stream.linear.scatter [tilespmem:s17], [sflag:$0x9], $0x3200, $0x38;
	[tilespmem:$0xFD20] =	vst v63  }
0x75: {  	s13 =	sadd.s32 s5, s13  }
0x76: {  	[tilespmem:s22], [sflag:$0x4] =	stream.linear.gather [hbm4b:s13+s3], $0xC8, $0x38;
	[tilespmem:$0xFD20] =	vst v63  }
0x77: {  	_ =	swait.ge [sflag:s23], $0xC8  }
0x78: {  	[sflag:s23] =	ssyncset.done $0x0  }
0x79: {  	s0 =	simm.s32 @!p0 $0xB;
	[sflag:s23] =	ssyncadd.s32 $0xFFFFFF38  }
0x7a: {  	_ =	swait.ge @!p0 [sflag:s0], $0x3200  }
0x7b: {  	[sflag:s0] =	ssyncset.done @!p0 $0x0  }
0x7c: {  	[sflag:s0] =	ssyncadd.s32 @!p0 $0xFFFFCE00  }
0x7d: {  	[tilespmem:s24], [sflag:$0x7] =	stream.indirect.gather [hbm4b:s6+s15], $0x40, s18, s15, $0xb8;
	[tilespmem:$0xFD20] =	vst v63  }
0x7e: {  	_ =	swait.ge [sflag:s25], $0x3200  }
0x7f: {  	[sflag:s25] =	ssyncset.done $0x0  }
0x80: {  	s0 =	simm.s32 $0x0;
	[sflag:s25] =	ssyncadd.s32 $0xFFFFCE00  }
0x81: {  	v6 =	vld [tilespmem:s0+$0xCB20]  }
0x82: {  	v7 =	vld [tilespmem:s0+$0xCB30]  }
0x83: {  	v8 =	vld [tilespmem:s0+$0xCB40]  }
0x84: {  	v9 =	vld [tilespmem:s0+$0xCB50]  }
0x85: {  	v10 =	vld [tilespmem:s0+$0xCB60]  }
0x86: {  	v11 =	vld [tilespmem:s0+$0xCB70]  }
0x87: {  	v12 =	vld [tilespmem:s0+$0xCB80]  }
0x88: {  	v14 =	vld [tilespmem:s0+$0xCB90]  }
0x89: {  	v5 =	vld [tilespmem:s0+$0xCBA0]  }
0x8a: {  	v4 =	vld [tilespmem:s0+$0xCBB0]  }
0x8b: {  	v3 =	vld [tilespmem:s0+$0xCBC0]  }
0x8c: {  	v2 =	vld [tilespmem:s0+$0xCBD0]  }
0x8d: {  	v1 =	vld [tilespmem:s0+$0xCBE0]  }
0x8e: {  	v15 =	vld [tilespmem:s0+$0x3530]  }
0x8f: {  	v13 =	vld [tilespmem:s0+$0x3520]  }
0x90: {  	v16 =	vld [tilespmem:s0+$0x3540]  }
0x91: {  	v0 =	vld [tilespmem:s0+$0xCBF0]  }
0x92: {  	v18 =	vld [tilespmem:s0+$0x3560]  }
0x93: {  	v17 =	vld [tilespmem:s0+$0x3550];
	v15 =	vmul.f32 $1.600000000e+01, v15  }
0x94: {  	v19 =	vld [tilespmem:s0+$0x3570];
	v13 =	vmul.f32 $1.600000000e+01, v13  }
0x95: {  	v20 =	vld [tilespmem:s0+$0x3580];
	v7 =	vadd.f32 v7, v15;
	v15 =	vmul.f32 $1.600000000e+01, v16  }
0x96: {  	v6 =	vadd.f32 v6, v13;
	v13 =	vld [tilespmem:s0+$0x3590]  }
0x97: {  	v21 =	vld [tilespmem:s0+$0x35A0];
	v8 =	vadd.f32 v8, v15;
	v15 =	vmul.f32 $1.600000000e+01, v18  }
0x98: {  	v62 =	vld [tilespmem:s0+$0x35B0];
	v17 =	vmul.f32 $1.600000000e+01, v17;
	[tilespmem:s0+$0x3520] =	vst v6  }
0x99: {  	v63 =	vmul.f32 $1.600000000e+01, v19;
	[tilespmem:s0+$0x3530] =	vst v7;
	v6 =	vld [tilespmem:s0+$0x35C0];
	v10 =	vadd.f32 v10, v15  }
0x9a: {  	v9 =	vadd.f32 v9, v17;
	v7 =	vld [tilespmem:s0+$0x35D0];
	[tilespmem:s0+$0x3540] =	vst v8;
	v15 =	vmul.f32 $1.600000000e+01, v20  }
0x9b: {  	v11 =	vadd.f32 v11, v63;
	v8 =	vld [tilespmem:s0+$0x35E0];
	[tilespmem:s0+$0x3560] =	vst v10;
	v10 =	vmul.f32 $1.600000000e+01, v13  }
0x9c: {  	[tilespmem:s0+$0x3550] =	vst v9;
	v9 =	vld [tilespmem:s0+$0x35F0];
	v12 =	vadd.f32 v12, v15;
	v13 =	vmul.f32 $1.600000000e+01, v21  }
0x9d: {  	s1 =	simm.s32 $0x400;
	[tilespmem:s0+$0x3570] =	vst v11;
	v11 =	vmul.f32 $1.600000000e+01, v62;
	v14 =	vadd.f32 v14, v10;
	v10 =	vld [tilespmem:s0+$0x3600]  }
.LBB2_5:
0x9e: {  	p1 =	sne.s32 s1, $0xC400;
	[tilespmem:s0+$0x3580] =	vst v12;
	v5 =	vadd.f32 v5, v13;
	v6 =	vmul.f32 $1.600000000e+01, v6;
	v12 =	vld [tilespmem:s0+$0x3610]  }
0x9f: {  	[tilespmem:s0+$0x3590] =	vst v14;
	v4 =	vadd.f32 v4, v11;
	v7 =	vmul.f32 $1.600000000e+01, v7;
	v11 =	vld [tilespmem:s0+$0xCC00]  }
0xa0: {  	s13 =	sshra.s32 s1, $0x2;
	[tilespmem:s0+$0x35A0] =	vst v5;
	v3 =	vadd.f32 v3, v6;
	v5 =	vmul.f32 $1.600000000e+01, v8;
	v6 =	vld [tilespmem:s0+$0xCC10]  }
0xa1: {  	v8 =	vld [tilespmem:s13+$0xCB20];
	[tilespmem:s0+$0x35B0] =	vst v4;
	v2 =	vadd.f32 v2, v7;
	v4 =	vmul.f32 $1.600000000e+01, v9  }
0xa2: {  	v7 =	vld [tilespmem:s13+$0xCB30];
	[tilespmem:s0+$0x35C0] =	vst v3;
	v1 =	vadd.f32 v1, v5;
	v3 =	vmul.f32 $1.600000000e+01, v10  }
0xa3: {  	v9 =	vld [tilespmem:s13+$0xCB40];
	[tilespmem:s0+$0x35D0] =	vst v2;
	v0 =	vadd.f32 v0, v4;
	v2 =	vmul.f32 $1.600000000e+01, v12  }
0xa4: {  	v10 =	vld [tilespmem:s13+$0xCB50];
	[tilespmem:s0+$0x35E0] =	vst v1;
	v1 =	vadd.f32 v11, v3  }
0xa5: {  	v11 =	vld [tilespmem:s13+$0xCB60];
	[tilespmem:s0+$0x35F0] =	vst v0;
	v0 =	vadd.f32 v6, v2  }
0xa6: {  	v12 =	vld [tilespmem:s13+$0xCB70];
	[tilespmem:s0+$0x3600] =	vst v1  }
0xa7: {  	v13 =	vld [tilespmem:s13+$0xCB80];
	[tilespmem:s0+$0x3610] =	vst v0;
	s0 =	smov.u32 s13  }
0xa8: {  	v14 =	vld [tilespmem:s0+$0xCB90]  }
0xa9: {  	v5 =	vld [tilespmem:s0+$0xCBA0]  }
0xaa: {  	v4 =	vld [tilespmem:s0+$0xCBB0]  }
0xab: {  	v3 =	vld [tilespmem:s0+$0xCBC0]  }
0xac: {  	v2 =	vld [tilespmem:s0+$0xCBD0]  }
0xad: {  	v1 =	vld [tilespmem:s0+$0xCBE0]  }
0xae: {  	v0 =	vld [tilespmem:s0+$0xCBF0]  }
0xaf: {  	v6 =	vld [tilespmem:s0+$0x3520]  }
0xb0: {  	v15 =	vld [tilespmem:s0+$0x3530]  }
0xb1: {  	v16 =	vld [tilespmem:s0+$0x3540]  }
0xb2: {  	v17 =	vld [tilespmem:s0+$0x3550]  }
0xb3: {  	v18 =	vld [tilespmem:s0+$0x3560]  }
0xb4: {  	v6 =	vmul.f32 $1.600000000e+01, v6;
	v19 =	vld [tilespmem:s0+$0x3570]  }
0xb5: {  	v15 =	vmul.f32 $1.600000000e+01, v15;
	v20 =	vld [tilespmem:s0+$0x3580]  }
0xb6: {  	v6 =	vadd.f32 v8, v6;
	v8 =	vmul.f32 $1.600000000e+01, v16;
	v16 =	vld [tilespmem:s0+$0x3590]  }
0xb7: {  	v7 =	vadd.f32 v7, v15;
	v15 =	vmul.f32 $1.600000000e+01, v17;
	v17 =	vld [tilespmem:s0+$0x35A0]  }
0xb8: {  	[tilespmem:s0+$0x3520] =	vst v6;
	v8 =	vadd.f32 v9, v8;
	v9 =	vmul.f32 $1.600000000e+01, v18;
	v18 =	vld [tilespmem:s0+$0x35B0]  }
.Ltmp1:
0xb9: {  	[tilespmem:s0+$0x3530] =	vst v7;
	v10 =	vadd.f32 v10, v15;
	v15 =	vmul.f32 $1.600000000e+01, v19;
	v6 =	vld [tilespmem:s0+$0x35C0];
	(pc) =	sbr.rel @p1 .LBB2_5-.Ltmp1, $4  }
0xba: {  	[tilespmem:s0+$0x3540] =	vst v8;
	v9 =	vadd.f32 v11, v9;
	v11 =	vmul.f32 $1.600000000e+01, v20;
	v7 =	vld [tilespmem:s0+$0x35D0]  }
0xbb: {  	[tilespmem:s0+$0x3550] =	vst v10;
	v10 =	vadd.f32 v12, v15;
	v15 =	vmul.f32 $1.600000000e+01, v16;
	v8 =	vld [tilespmem:s0+$0x35E0]  }
0xbc: {  	[tilespmem:s0+$0x3560] =	vst v9;
	v12 =	vadd.f32 v13, v11;
	v13 =	vmul.f32 $1.600000000e+01, v17;
	v9 =	vld [tilespmem:s0+$0x35F0]  }
0xbd: {  	s1 =	sadd.s32 $0x400, s1;
	[tilespmem:s0+$0x3570] =	vst v10;
	v14 =	vadd.f32 v14, v15;
	v11 =	vmul.f32 $1.600000000e+01, v18;
	v10 =	vld [tilespmem:s0+$0x3600]  }
0xbe: {  	[tilespmem:s0+$0x3580] =	vst v12;
	v55 =	vld [tilespmem:s0+$0x3610];
	v5 =	vadd.f32 v5, v13;
	v6 =	vmul.f32 $1.600000000e+01, v6  }
0xbf: {  	v56 =	vld [tilespmem:s0+$0xCC00];
	[tilespmem:s0+$0x3590] =	vst v14;
	v4 =	vadd.f32 v4, v11;
	v7 =	vmul.f32 $1.600000000e+01, v7  }
0xc0: {  	v58 =	vld [tilespmem:s0+$0xCC10];
	[tilespmem:s0+$0x35A0] =	vst v5;
	v3 =	vadd.f32 v3, v6;
	v57 =	vmul.f32 $1.600000000e+01, v8  }
0xc1: {  	[tilespmem:s0+$0x35B0] =	vst v4;
	v2 =	vadd.f32 v2, v7;
	v59 =	vmul.f32 $1.600000000e+01, v9  }
0xc2: {  	[tilespmem:s0+$0x35C0] =	vst v3;
	v1 =	vadd.f32 v1, v57;
	v60 =	vmul.f32 $1.600000000e+01, v10  }
0xc3: {  	p1 =	sne.s32 s9, $0x1F;
	[tilespmem:s0+$0x35D0] =	vst v2;
	v0 =	vadd.f32 v0, v59;
	v61 =	vmul.f32 $1.600000000e+01, v55  }
.Ltmp2:
0xc4: {  	s1 =	sadd.s32 s4, s16;
	[tilespmem:s0+$0x35E0] =	vst v1;
	v62 =	vadd.f32 v56, v60;
	(pc) =	sbr.rel @p1 .LBB2_8-.Ltmp2, $4  }
0xc5: {  	s1 =	smul.u32 $0x640, s1;
	[tilespmem:s0+$0x35F0] =	vst v0;
	v63 =	vadd.f32 v58, v61  }
0xc6: {  	[tilespmem:s0+$0x3600] =	vst v62  }
0xc7: {  	s16 =	sadd.s32 s2, s1;
	[tilespmem:s0+$0x3610] =	vst v63  }
0xc8: {  	[hbm4b:s16+s3] =	stream.linear.scatter [tilespmem:s20], [sflag:$0xA], $0x3200, $0x38;
	[tilespmem:$0xFD20] =	vst v63  }
.Ltmp3:
0xc9: {  	(pc) =	sbr.rel .LBB2_9-.Ltmp3, $4  }
0xca: {  	_ = 	snop  }
0xcb: {  	_ =	swait.ge [sflag:s26], $0xC8  }
0xcc: {  	[sflag:s26] =	ssyncset.done $0x0  }
0xcd: {  	[sflag:s26] =	ssyncadd.s32 $0xFFFFFF38  }
.LBB2_8:
0xce: {  	s0 =	sadd.s32 s12, s10  }
0xcf: {  	s0 =	smul.u32 $0x19, s0;
	_ =	sdelay $0x1  }
.Ltmp4:
0xd0: {  	s0 =	sadd.s32 s5, s0;
	(pc) =	sbr.rel @p0 .LBB2_10-.Ltmp4, $4  }
0xd1: {  	[tilespmem:s3], [sflag:$0x1] =	stream.linear.gather [hbm4b:s0+s3], $0xC8, $0x38;
	[tilespmem:$0xFD20] =	vst v63  }
0xd2: {  	_ =	swait.ge [sflag:s26], $0xC8  }
0xd3: {  	[sflag:s26] =	ssyncset.done $0x0  }
0xd4: {  	[sflag:s26] =	ssyncadd.s32 $0xFFFFFF38  }
.LBB2_9:
0xd5: {  	_ =	swait.ge [sflag:s28], $0x3200  }
0xd6: {  	[sflag:s28] =	ssyncset.done $0x0  }
0xd7: {  	[sflag:s28] =	ssyncadd.s32 $0xFFFFCE00  }
.LBB2_10:
0xd8: {  	[tilespmem:s29], [sflag:$0x8] =	stream.indirect.gather [hbm4b:s6+s15], $0x40, s22, s15, $0xb8;
	[tilespmem:$0xFD20] =	vst v63  }
0xd9: {  	_ =	swait.ge [sflag:s30], $0x3200  }
0xda: {  	[sflag:s30] =	ssyncset.done $0x0  }
0xdb: {  	s0 =	simm.s32 $0x0;
	[sflag:s30] =	ssyncadd.s32 $0xFFFFCE00  }
0xdc: {  	v6 =	vld [tilespmem:s0+$0xCB20]  }
0xdd: {  	v7 =	vld [tilespmem:s0+$0xCB30]  }
0xde: {  	v8 =	vld [tilespmem:s0+$0xCB40]  }
0xdf: {  	v9 =	vld [tilespmem:s0+$0xCB50]  }
0xe0: {  	v10 =	vld [tilespmem:s0+$0xCB60]  }
0xe1: {  	v11 =	vld [tilespmem:s0+$0xCB70]  }
0xe2: {  	v12 =	vld [tilespmem:s0+$0xCB80]  }
0xe3: {  	v14 =	vld [tilespmem:s0+$0xCB90]  }
0xe4: {  	v5 =	vld [tilespmem:s0+$0xCBA0]  }
0xe5: {  	v4 =	vld [tilespmem:s0+$0xCBB0]  }
0xe6: {  	v3 =	vld [tilespmem:s0+$0xCBC0]  }
0xe7: {  	v2 =	vld [tilespmem:s0+$0xCBD0]  }
0xe8: {  	v1 =	vld [tilespmem:s0+$0xCBE0]  }
0xe9: {  	v15 =	vld [tilespmem:s0+$0x6730]  }
0xea: {  	v13 =	vld [tilespmem:s0+$0x6720]  }
0xeb: {  	v16 =	vld [tilespmem:s0+$0x6740]  }
0xec: {  	v0 =	vld [tilespmem:s0+$0xCBF0]  }
0xed: {  	v18 =	vld [tilespmem:s0+$0x6760]  }
0xee: {  	v17 =	vld [tilespmem:s0+$0x6750];
	v15 =	vmul.f32 $1.600000000e+01, v15  }
0xef: {  	v19 =	vld [tilespmem:s0+$0x6770];
	v13 =	vmul.f32 $1.600000000e+01, v13  }
0xf0: {  	v20 =	vld [tilespmem:s0+$0x6780];
	v7 =	vadd.f32 v7, v15;
	v15 =	vmul.f32 $1.600000000e+01, v16  }
0xf1: {  	v6 =	vadd.f32 v6, v13;
	v13 =	vld [tilespmem:s0+$0x6790]  }
0xf2: {  	v21 =	vld [tilespmem:s0+$0x67A0];
	v8 =	vadd.f32 v8, v15;
	v15 =	vmul.f32 $1.600000000e+01, v18  }
0xf3: {  	v62 =	vld [tilespmem:s0+$0x67B0];
	v17 =	vmul.f32 $1.600000000e+01, v17;
	[tilespmem:s0+$0x6720] =	vst v6  }
0xf4: {  	v63 =	vmul.f32 $1.600000000e+01, v19;
	[tilespmem:s0+$0x6730] =	vst v7;
	v6 =	vld [tilespmem:s0+$0x67C0];
	v10 =	vadd.f32 v10, v15  }
0xf5: {  	v9 =	vadd.f32 v9, v17;
	v7 =	vld [tilespmem:s0+$0x67D0];
	[tilespmem:s0+$0x6740] =	vst v8;
	v15 =	vmul.f32 $1.600000000e+01, v20  }
0xf6: {  	v11 =	vadd.f32 v11, v63;
	v8 =	vld [tilespmem:s0+$0x67E0];
	[tilespmem:s0+$0x6760] =	vst v10;
	v10 =	vmul.f32 $1.600000000e+01, v13  }
0xf7: {  	[tilespmem:s0+$0x6750] =	vst v9;
	v9 =	vld [tilespmem:s0+$0x67F0];
	v12 =	vadd.f32 v12, v15;
	v13 =	vmul.f32 $1.600000000e+01, v21  }
0xf8: {  	s1 =	simm.s32 $0x400;
	[tilespmem:s0+$0x6770] =	vst v11;
	v11 =	vmul.f32 $1.600000000e+01, v62;
	v14 =	vadd.f32 v14, v10;
	v10 =	vld [tilespmem:s0+$0x6800]  }
.LBB2_11:
0xf9: {  	p0 =	sne.s32 s1, $0xC400;
	[tilespmem:s0+$0x6780] =	vst v12;
	v5 =	vadd.f32 v5, v13;
	v6 =	vmul.f32 $1.600000000e+01, v6;
	v12 =	vld [tilespmem:s0+$0x6810]  }
0xfa: {  	[tilespmem:s0+$0x6790] =	vst v14;
	v4 =	vadd.f32 v4, v11;
	v7 =	vmul.f32 $1.600000000e+01, v7;
	v11 =	vld [tilespmem:s0+$0xCC00]  }
0xfb: {  	s13 =	sshra.s32 s1, $0x2;
	[tilespmem:s0+$0x67A0] =	vst v5;
	v3 =	vadd.f32 v3, v6;
	v5 =	vmul.f32 $1.600000000e+01, v8;
	v6 =	vld [tilespmem:s0+$0xCC10]  }
0xfc: {  	v8 =	vld [tilespmem:s13+$0xCB20];
	[tilespmem:s0+$0x67B0] =	vst v4;
	v2 =	vadd.f32 v2, v7;
	v4 =	vmul.f32 $1.600000000e+01, v9  }
0xfd: {  	v7 =	vld [tilespmem:s13+$0xCB30];
	[tilespmem:s0+$0x67C0] =	vst v3;
	v1 =	vadd.f32 v1, v5;
	v3 =	vmul.f32 $1.600000000e+01, v10  }
0xfe: {  	v9 =	vld [tilespmem:s13+$0xCB40];
	[tilespmem:s0+$0x67D0] =	vst v2;
	v0 =	vadd.f32 v0, v4;
	v2 =	vmul.f32 $1.600000000e+01, v12  }
0xff: {  	v10 =	vld [tilespmem:s13+$0xCB50];
	[tilespmem:s0+$0x67E0] =	vst v1;
	v1 =	vadd.f32 v11, v3  }
0x100: {  	v11 =	vld [tilespmem:s13+$0xCB60];
	[tilespmem:s0+$0x67F0] =	vst v0;
	v0 =	vadd.f32 v6, v2  }
0x101: {  	v12 =	vld [tilespmem:s13+$0xCB70];
	[tilespmem:s0+$0x6800] =	vst v1  }
0x102: {  	v13 =	vld [tilespmem:s13+$0xCB80];
	[tilespmem:s0+$0x6810] =	vst v0;
	s0 =	smov.u32 s13  }
0x103: {  	v14 =	vld [tilespmem:s0+$0xCB90]  }
0x104: {  	v5 =	vld [tilespmem:s0+$0xCBA0]  }
0x105: {  	v4 =	vld [tilespmem:s0+$0xCBB0]  }
0x106: {  	v3 =	vld [tilespmem:s0+$0xCBC0]  }
0x107: {  	v2 =	vld [tilespmem:s0+$0xCBD0]  }
0x108: {  	v1 =	vld [tilespmem:s0+$0xCBE0]  }
0x109: {  	v0 =	vld [tilespmem:s0+$0xCBF0]  }
0x10a: {  	v6 =	vld [tilespmem:s0+$0x6720]  }
0x10b: {  	v15 =	vld [tilespmem:s0+$0x6730]  }
0x10c: {  	v16 =	vld [tilespmem:s0+$0x6740]  }
0x10d: {  	v17 =	vld [tilespmem:s0+$0x6750]  }
0x10e: {  	v18 =	vld [tilespmem:s0+$0x6760]  }
0x10f: {  	v6 =	vmul.f32 $1.600000000e+01, v6;
	v19 =	vld [tilespmem:s0+$0x6770]  }
0x110: {  	v15 =	vmul.f32 $1.600000000e+01, v15;
	v20 =	vld [tilespmem:s0+$0x6780]  }
0x111: {  	v6 =	vadd.f32 v8, v6;
	v8 =	vmul.f32 $1.600000000e+01, v16;
	v16 =	vld [tilespmem:s0+$0x6790]  }
0x112: {  	v7 =	vadd.f32 v7, v15;
	v15 =	vmul.f32 $1.600000000e+01, v17;
	v17 =	vld [tilespmem:s0+$0x67A0]  }
0x113: {  	[tilespmem:s0+$0x6720] =	vst v6;
	v8 =	vadd.f32 v9, v8;
	v9 =	vmul.f32 $1.600000000e+01, v18;
	v18 =	vld [tilespmem:s0+$0x67B0]  }
.Ltmp5:
0x114: {  	[tilespmem:s0+$0x6730] =	vst v7;
	v10 =	vadd.f32 v10, v15;
	v15 =	vmul.f32 $1.600000000e+01, v19;
	v6 =	vld [tilespmem:s0+$0x67C0];
	(pc) =	sbr.rel @p0 .LBB2_11-.Ltmp5, $4  }
0x115: {  	[tilespmem:s0+$0x6740] =	vst v8;
	v9 =	vadd.f32 v11, v9;
	v11 =	vmul.f32 $1.600000000e+01, v20;
	v7 =	vld [tilespmem:s0+$0x67D0]  }
0x116: {  	[tilespmem:s0+$0x6750] =	vst v10;
	v10 =	vadd.f32 v12, v15;
	v15 =	vmul.f32 $1.600000000e+01, v16;
	v8 =	vld [tilespmem:s0+$0x67E0]  }
0x117: {  	[tilespmem:s0+$0x6760] =	vst v9;
	v12 =	vadd.f32 v13, v11;
	v13 =	vmul.f32 $1.600000000e+01, v17;
	v9 =	vld [tilespmem:s0+$0x67F0]  }
0x118: {  	s1 =	sadd.s32 $0x400, s1;
	[tilespmem:s0+$0x6770] =	vst v10;
	v14 =	vadd.f32 v14, v15;
	v11 =	vmul.f32 $1.600000000e+01, v18;
	v10 =	vld [tilespmem:s0+$0x6800]  }
0x119: {  	[tilespmem:s0+$0x6780] =	vst v12;
	v12 =	vld [tilespmem:s0+$0x6810];
	v5 =	vadd.f32 v5, v13;
	v6 =	vmul.f32 $1.600000000e+01, v6  }
0x11a: {  	v13 =	vld [tilespmem:s0+$0xCC00];
	[tilespmem:s0+$0x6790] =	vst v14;
	v4 =	vadd.f32 v4, v11;
	v7 =	vmul.f32 $1.600000000e+01, v7  }
0x11b: {  	[tilespmem:s0+$0x67A0] =	vst v5;
	v3 =	vadd.f32 v3, v6;
	v5 =	vmul.f32 $1.600000000e+01, v8;
	v6 =	vld [tilespmem:s0+$0xCC10]  }
0x11c: {  	[tilespmem:s0+$0x67B0] =	vst v4;
	v2 =	vadd.f32 v2, v7;
	v4 =	vmul.f32 $1.600000000e+01, v9  }
0x11d: {  	[tilespmem:s0+$0x67C0] =	vst v3;
	v1 =	vadd.f32 v1, v5;
	v3 =	vmul.f32 $1.600000000e+01, v10  }
0x11e: {  	[tilespmem:s0+$0x67D0] =	vst v2;
	v0 =	vadd.f32 v0, v4;
	v2 =	vmul.f32 $1.600000000e+01, v12  }
0x11f: {  	[tilespmem:s0+$0x67E0] =	vst v1;
	v1 =	vadd.f32 v13, v3  }
0x120: {  	p0 =	seq.s32 s9, $0x1F;
	s1 =	smul.u32 $0x640, s14;
	[tilespmem:s0+$0x67F0] =	vst v0;
	v0 =	vadd.f32 v6, v2  }
0x121: {  	s12 =	sadd.s32 @!p0 s12, s11;
	[tilespmem:s0+$0x6800] =	vst v1  }
0x122: {  	s16 =	sadd.s32 s2, s1;
	s1 =	smul.u32 @!p0 $0x19, s12;
	[tilespmem:s0+$0x6810] =	vst v0  }
0x123: {  	[hbm4b:s16+s3] =	stream.linear.scatter [tilespmem:s24], [sflag:$0xB], $0x3200, $0x38;
	[tilespmem:$0xFD20] =	vst v63  }
0x124: {  	s12 =	simm.s32 @!p0 $0xC8;
	s0 =	sadd.s32 @!p0 s5, s1;
	s1 =	simm.s32 @!p0 $0x0  }
0x125: {  	[tilespmem:s12], [sflag:$0x2] =	stream.linear.gather @!p0 [hbm4b:s0+s1], $0xC8, $0x38;
	[tilespmem:$0xFD20] =	vst v63  }
0x126: {  	s0 =	simm.s32 @!p0 $0x1  }
0x127: {  	_ =	swait.ge @!p0 [sflag:s0], $0xC8  }
0x128: {  	[sflag:s0] =	ssyncset.done @!p0 $0x0  }
0x129: {  	[sflag:s0] =	ssyncadd.s32 @!p0 $0xFFFFFF38;
	s0 =	simm.s32 @!p0 $0x9  }
0x12a: {  	_ =	swait.ge @!p0 [sflag:s0], $0x3200  }
0x12b: {  	[sflag:s0] =	ssyncset.done @!p0 $0x0  }
0x12c: {  	[sflag:s0] =	ssyncadd.s32 @!p0 $0xFFFFCE00;
	s0 =	simm.s32 @!p0 $0x320  }
0x12d: {  	[tilespmem:s0], [sflag:$0x5] =	stream.indirect.gather @!p0 [hbm4b:s6+s12], $0x40, s1, s12, $0xb8;
	[tilespmem:$0xFD20] =	vst v63  }
0x12e: {  	_ =	swait.ge [sflag:s31], $0x3200  }
0x12f: {  	[sflag:s31] =	ssyncset.done $0x0  }
0x130: {  	s0 =	simm.s32 $0x0;
	[sflag:s31] =	ssyncadd.s32 $0xFFFFCE00  }
0x131: {  	v6 =	vld [tilespmem:s0+$0xCB20]  }
0x132: {  	v7 =	vld [tilespmem:s0+$0xCB30]  }
0x133: {  	v8 =	vld [tilespmem:s0+$0xCB40]  }
0x134: {  	v9 =	vld [tilespmem:s0+$0xCB50]  }
0x135: {  	v10 =	vld [tilespmem:s0+$0xCB60]  }
0x136: {  	v11 =	vld [tilespmem:s0+$0xCB70]  }
0x137: {  	v12 =	vld [tilespmem:s0+$0xCB80]  }
0x138: {  	v14 =	vld [tilespmem:s0+$0xCB90]  }
0x139: {  	v5 =	vld [tilespmem:s0+$0xCBA0]  }
0x13a: {  	v4 =	vld [tilespmem:s0+$0xCBB0]  }
0x13b: {  	v3 =	vld [tilespmem:s0+$0xCBC0]  }
0x13c: {  	v2 =	vld [tilespmem:s0+$0xCBD0]  }
0x13d: {  	v1 =	vld [tilespmem:s0+$0xCBE0]  }
0x13e: {  	v15 =	vld [tilespmem:s0+$0x9930]  }
0x13f: {  	v13 =	vld [tilespmem:s0+$0x9920]  }
0x140: {  	v16 =	vld [tilespmem:s0+$0x9940]  }
0x141: {  	v0 =	vld [tilespmem:s0+$0xCBF0]  }
0x142: {  	v18 =	vld [tilespmem:s0+$0x9960]  }
0x143: {  	v17 =	vld [tilespmem:s0+$0x9950];
	v15 =	vmul.f32 $1.600000000e+01, v15  }
0x144: {  	v19 =	vld [tilespmem:s0+$0x9970];
	v13 =	vmul.f32 $1.600000000e+01, v13  }
0x145: {  	v20 =	vld [tilespmem:s0+$0x9980];
	v7 =	vadd.f32 v7, v15;
	v15 =	vmul.f32 $1.600000000e+01, v16  }
0x146: {  	v6 =	vadd.f32 v6, v13;
	v13 =	vld [tilespmem:s0+$0x9990]  }
0x147: {  	v21 =	vld [tilespmem:s0+$0x99A0];
	v8 =	vadd.f32 v8, v15;
	v15 =	vmul.f32 $1.600000000e+01, v18  }
0x148: {  	v62 =	vld [tilespmem:s0+$0x99B0];
	v17 =	vmul.f32 $1.600000000e+01, v17;
	[tilespmem:s0+$0x9920] =	vst v6  }
0x149: {  	v63 =	vmul.f32 $1.600000000e+01, v19;
	[tilespmem:s0+$0x9930] =	vst v7;
	v6 =	vld [tilespmem:s0+$0x99C0];
	v10 =	vadd.f32 v10, v15  }
0x14a: {  	v9 =	vadd.f32 v9, v17;
	v7 =	vld [tilespmem:s0+$0x99D0];
	[tilespmem:s0+$0x9940] =	vst v8;
	v15 =	vmul.f32 $1.600000000e+01, v20  }
0x14b: {  	v11 =	vadd.f32 v11, v63;
	v8 =	vld [tilespmem:s0+$0x99E0];
	[tilespmem:s0+$0x9960] =	vst v10;
	v10 =	vmul.f32 $1.600000000e+01, v13  }
0x14c: {  	[tilespmem:s0+$0x9950] =	vst v9;
	v9 =	vld [tilespmem:s0+$0x99F0];
	v12 =	vadd.f32 v12, v15;
	v13 =	vmul.f32 $1.600000000e+01, v21  }
0x14d: {  	s1 =	simm.s32 $0x400;
	[tilespmem:s0+$0x9970] =	vst v11;
	v11 =	vmul.f32 $1.600000000e+01, v62;
	v14 =	vadd.f32 v14, v10;
	v10 =	vld [tilespmem:s0+$0x9A00]  }
.LBB2_13:
0x14e: {  	p0 =	sne.s32 s1, $0xC400;
	[tilespmem:s0+$0x9980] =	vst v12;
	v5 =	vadd.f32 v5, v13;
	v6 =	vmul.f32 $1.600000000e+01, v6;
	v12 =	vld [tilespmem:s0+$0x9A10]  }
0x14f: {  	[tilespmem:s0+$0x9990] =	vst v14;
	v4 =	vadd.f32 v4, v11;
	v7 =	vmul.f32 $1.600000000e+01, v7;
	v11 =	vld [tilespmem:s0+$0xCC00]  }
0x150: {  	s12 =	sshra.s32 s1, $0x2;
	[tilespmem:s0+$0x99A0] =	vst v5;
	v3 =	vadd.f32 v3, v6;
	v5 =	vmul.f32 $1.600000000e+01, v8;
	v6 =	vld [tilespmem:s0+$0xCC10]  }
0x151: {  	v8 =	vld [tilespmem:s12+$0xCB20];
	[tilespmem:s0+$0x99B0] =	vst v4;
	v2 =	vadd.f32 v2, v7;
	v4 =	vmul.f32 $1.600000000e+01, v9  }
0x152: {  	v7 =	vld [tilespmem:s12+$0xCB30];
	[tilespmem:s0+$0x99C0] =	vst v3;
	v1 =	vadd.f32 v1, v5;
	v3 =	vmul.f32 $1.600000000e+01, v10  }
0x153: {  	v9 =	vld [tilespmem:s12+$0xCB40];
	[tilespmem:s0+$0x99D0] =	vst v2;
	v0 =	vadd.f32 v0, v4;
	v2 =	vmul.f32 $1.600000000e+01, v12  }
0x154: {  	v10 =	vld [tilespmem:s12+$0xCB50];
	[tilespmem:s0+$0x99E0] =	vst v1;
	v1 =	vadd.f32 v11, v3  }
0x155: {  	v11 =	vld [tilespmem:s12+$0xCB60];
	[tilespmem:s0+$0x99F0] =	vst v0;
	v0 =	vadd.f32 v6, v2  }
0x156: {  	v12 =	vld [tilespmem:s12+$0xCB70];
	[tilespmem:s0+$0x9A00] =	vst v1  }
0x157: {  	v13 =	vld [tilespmem:s12+$0xCB80];
	[tilespmem:s0+$0x9A10] =	vst v0;
	s0 =	smov.u32 s12  }
0x158: {  	v14 =	vld [tilespmem:s0+$0xCB90]  }
0x159: {  	v5 =	vld [tilespmem:s0+$0xCBA0]  }
0x15a: {  	v4 =	vld [tilespmem:s0+$0xCBB0]  }
0x15b: {  	v3 =	vld [tilespmem:s0+$0xCBC0]  }
0x15c: {  	v2 =	vld [tilespmem:s0+$0xCBD0]  }
0x15d: {  	v1 =	vld [tilespmem:s0+$0xCBE0]  }
0x15e: {  	v0 =	vld [tilespmem:s0+$0xCBF0]  }
0x15f: {  	v6 =	vld [tilespmem:s0+$0x9920]  }
0x160: {  	v15 =	vld [tilespmem:s0+$0x9930]  }
0x161: {  	v16 =	vld [tilespmem:s0+$0x9940]  }
0x162: {  	v17 =	vld [tilespmem:s0+$0x9950]  }
0x163: {  	v18 =	vld [tilespmem:s0+$0x9960]  }
0x164: {  	v6 =	vmul.f32 $1.600000000e+01, v6;
	v19 =	vld [tilespmem:s0+$0x9970]  }
0x165: {  	v15 =	vmul.f32 $1.600000000e+01, v15;
	v20 =	vld [tilespmem:s0+$0x9980]  }
0x166: {  	v6 =	vadd.f32 v8, v6;
	v8 =	vmul.f32 $1.600000000e+01, v16;
	v16 =	vld [tilespmem:s0+$0x9990]  }
0x167: {  	v7 =	vadd.f32 v7, v15;
	v15 =	vmul.f32 $1.600000000e+01, v17;
	v17 =	vld [tilespmem:s0+$0x99A0]  }
0x168: {  	[tilespmem:s0+$0x9920] =	vst v6;
	v8 =	vadd.f32 v9, v8;
	v9 =	vmul.f32 $1.600000000e+01, v18;
	v18 =	vld [tilespmem:s0+$0x99B0]  }
.Ltmp6:
0x169: {  	[tilespmem:s0+$0x9930] =	vst v7;
	v10 =	vadd.f32 v10, v15;
	v15 =	vmul.f32 $1.600000000e+01, v19;
	v6 =	vld [tilespmem:s0+$0x99C0];
	(pc) =	sbr.rel @p0 .LBB2_13-.Ltmp6, $4  }
0x16a: {  	[tilespmem:s0+$0x9940] =	vst v8;
	v9 =	vadd.f32 v11, v9;
	v11 =	vmul.f32 $1.600000000e+01, v20;
	v7 =	vld [tilespmem:s0+$0x99D0]  }
0x16b: {  	[tilespmem:s0+$0x9950] =	vst v10;
	v10 =	vadd.f32 v12, v15;
	v15 =	vmul.f32 $1.600000000e+01, v16;
	v8 =	vld [tilespmem:s0+$0x99E0]  }
0x16c: {  	[tilespmem:s0+$0x9960] =	vst v9;
	v12 =	vadd.f32 v13, v11;
	v13 =	vmul.f32 $1.600000000e+01, v17;
	v9 =	vld [tilespmem:s0+$0x99F0]  }
0x16d: {  	s1 =	sadd.s32 $0x400, s1;
	[tilespmem:s0+$0x9970] =	vst v10;
	v14 =	vadd.f32 v14, v15;
	v11 =	vmul.f32 $1.600000000e+01, v18;
	v10 =	vld [tilespmem:s0+$0x9A00]  }
0x16e: {  	[tilespmem:s0+$0x9980] =	vst v12;
	v55 =	vld [tilespmem:s0+$0x9A10];
	v5 =	vadd.f32 v5, v13;
	v6 =	vmul.f32 $1.600000000e+01, v6  }
0x16f: {  	v56 =	vld [tilespmem:s0+$0xCC00];
	[tilespmem:s0+$0x9990] =	vst v14;
	v4 =	vadd.f32 v4, v11;
	v7 =	vmul.f32 $1.600000000e+01, v7  }
0x170: {  	v58 =	vld [tilespmem:s0+$0xCC10];
	[tilespmem:s0+$0x99A0] =	vst v5;
	v3 =	vadd.f32 v3, v6;
	v57 =	vmul.f32 $1.600000000e+01, v8  }
0x171: {  	[tilespmem:s0+$0x99B0] =	vst v4;
	v2 =	vadd.f32 v2, v7;
	v59 =	vmul.f32 $1.600000000e+01, v9  }
0x172: {  	s9 =	sadd.s32 $0x1, s9;
	[tilespmem:s0+$0x99C0] =	vst v3;
	v1 =	vadd.f32 v1, v57;
	v60 =	vmul.f32 $1.600000000e+01, v10  }
0x173: {  	p0 =	sne.s32 s9, $0x20;
	[tilespmem:s0+$0x99D0] =	vst v2;
	v0 =	vadd.f32 v0, v59;
	v61 =	vmul.f32 $1.600000000e+01, v55  }
.Ltmp7:
0x174: {  	[tilespmem:s0+$0x99E0] =	vst v1;
	v62 =	vadd.f32 v56, v60;
	(pc) =	sbr.rel @p0 .LBB2_2-.Ltmp7, $4  }
0x175: {  	s1 =	smul.u32 $0x640, s8;
	[tilespmem:s0+$0x99F0] =	vst v0;
	v63 =	vadd.f32 v58, v61  }
0x176: {  	[tilespmem:s0+$0x9A00] =	vst v62  }
0x177: {  	s16 =	sadd.s32 s2, s1;
	[tilespmem:s0+$0x9A10] =	vst v63  }
0x178: {  	[hbm4b:s16+s3] =	stream.linear.scatter [tilespmem:s29], [sflag:$0xC], $0x3200, $0x38;
	[tilespmem:$0xFD20] =	vst v63  }
0x179: {  	s0 =	simm.s32 $0x9  }
0x17a: {  	_ =	swait.ge [sflag:s0], $0x3200  }
0x17b: {  	[sflag:s0] =	ssyncset.done $0x0  }
0x17c: {  	s13 =	simm.s32 $0xA;
	[sflag:s0] =	ssyncadd.s32 $0xFFFFCE00  }
0x17d: {  	_ =	swait.ge [sflag:s13], $0x3200  }
0x17e: {  	[sflag:s13] =	ssyncset.done $0x0  }
0x17f: {  	s14 =	simm.s32 $0xB;
	[sflag:s13] =	ssyncadd.s32 $0xFFFFCE00  }
0x180: {  	_ =	swait.ge [sflag:s14], $0x3200  }
0x181: {  	[sflag:s14] =	ssyncset.done $0x0  }
0x182: {  	[sflag:s14] =	ssyncadd.s32 $0xFFFFCE00  }
0x183: {  	_ =	swait.ge [sflag:s28], $0x3200  }
0x184: {  	s7 =	sadd.s32 $0x1, s7;
	s16 =	rddreg [dreg:$0x6]  }
0x185: {  	p0 =	sne.s32 s7, s16  }
.Ltmp8:
0x186: {  	_ = 	snop;
	(pc) =	sbr.rel @p0 .LBB2_1-.Ltmp8, $3  }
0x187: {  	_ =	sdelay $0x1  }
0x188: {  	[sflag:s28] =	ssyncset.done $0x0  }
0x189: {  	[sflag:s28] =	ssyncadd.s32 $0xFFFFCE00  }
0x18a: {  	_ =	sfence.sel $0x180000  }
0x18b: {  	[bflag:$0x0] =	sbarrier.arrive $0xFFFF  }
0x18c: {  	_ =	strace $0x90000047  }
0x18d: {  	s0 =	stileid.u32;
	[bflag:$0x2] =	sbarrier.arrive $0xFFFF  }
0x18e: {  	p0 =	sne.s32 s0, $0x0;
	s0 =	rddreg [dreg:$0x2]  }
0x18f: {  	s0 =	sadd.s32 @!p0 $0x100000, s0  }
0x190: {  	[sflag:s0] =	ssyncadd.tile.s32 @!p0 $0x1;
	_ =	shalt  }
.Lfunc_end2:
_tile_overlayer_lowered:
.L_overlay_start_2:
0x191: {  	(tag) =	ssettag $0x2  }
0x192: {  	s0 =	rddreg [dreg:$0x0];
	s2 =	stileid.u32  }
0x193: {  	s1 =	rddreg [dreg:$0x1];
	p0 =	sne.s32 s2, $0x0  }
0x194: {  	s3 =	rddreg [dreg:$0x2];
	[bflag:$0x3] =	sbarrier.arrive $0xFFFF;
	s2 =	simm.s32 @!p0 $0x1C0D  }
0x195: {  	[timem:s3], [sflag:s2] =	dma.local @!p0 [hbm:s0], s1  }
0x196: {  	s0 =	simm.s32 @!p0 $0xD  }
0x197: {  	_ =	swait.ge @!p0 [sflag:s0], s1  }
0x198: {  	s1 =	ssub.s32 @!p0 $0x0, s1;
	[sflag:s0] =	ssyncset.done @!p0 $0x0  }
0x199: {  	[sflag:s0] =	ssyncadd.s32 @!p0 s1  }
0x19a: {  	[bflag:$0x3] =	sbarrier.arrive $0xFFFF  }
0x19b: {  	_ =	shalt  }

// kernel: sparse-core-data-format-call.cloned.1.call-start
scs
called_computation_lowered:
.L_overlay_start_0:
0x0: {  	s2 =	sld [smem:$0x3FD9]  }
0x1: {  	s3 =	sld [smem:$0x3FFE];
	_ =	sdelay $0x1  }
0x2: {  	s1 =	srdreg.scid  }
0x3: {  	s0 =	sand.u32 $0x1, s1  }
0x4: {  	s18 =	sshll.u32 s0, $0xA;
	s2 =	sadd.s32 s3, s2  }
0x5: {  	s2 =	sadd.s32 s2, s18  }
0x6: {  	[smem:$0x3FC6] =	sst s2  }
0x7: {  	_ = 	snop  }
0x8: {  	s2 =	sld [smem:$0x3FD0];
	(tm) =	ssettm $0x1  }
0x9: {  	s19 =	sld [smem:$0x3FFB];
	_ =	sdelay $0x3  }
0xa: {  	_ =	strace s19  }
0xb: {  	s3 =	sld [smem:$0x3FFC];
	_ =	sdelay $0x3  }
0xc: {  	_ =	strace s3  }
0xd: {  	s3 =	sld [smem:$0x3FFD];
	_ =	sdelay $0x3  }
0xe: {  	_ =	strace s3  }
0xf: {  	_ =	strace $0x8FFFFFFF  }
0x10: {  	s20 =	sld [smem:$0x3FDB];
	_ =	sdelay $0x1  }
0x11: {  	s4 =	simm.s32 $_scs_section_size  }
0x12: {  	s5 =	simm.s32 $_size__tile_overlayer_lowered;
	s6 =	simm.s32 $_tile_overlayer_lowered  }
0x13: {  	s23 =	simm.s32 $0x1BFF;
	s22 =	sshll.u32 s6, $0x1;
	s3 =	sadd.s32 s4, s20  }
0x14: {  	s7 =	simm.s32 $0x0;
	s21 =	sshll.u32 s5, $0x1;
	s5 =	sadd.s32 s22, s3  }
0x15: {  	[timem:s7], [sflag:s23] =	dma.local [hbm:s5], s21  }
0x16: {  	_ =	swait.ge [sflag:s23], s21  }
0x17: {  	s4 =	ssub.s32 $0x0, s21;
	[sflag:s23] =	ssyncset.done $0x0  }
0x18: {  	[sflag:s23] =	ssyncadd.s32 s4;
	_ =	sdelay $0x1  }
0x19: {  	s24 =	simm.s32 $0x1B8B  }
0x1a: {  	_ =	swait.ge [sflag:s24], $0x1  }
0x1b: {  	[sflag:s24] =	ssyncset.done $0x0  }
0x1c: {  	s26 =	simm.s32 $0x1B8E;
	s25 =	sld [smem:$0x3FFE];
	[sflag:s24] =	ssyncadd.s32 $0xFFFFFFFF  }
0x1d: {  	s27 =	simm.s32 $execute0_lowered;
	[smem:$0x3FD2] =	sst s26  }
0x1e: {  	s5 =	sshll.u32 s27, $0x1;
	_ =	strace $0x80000049;
	[dreg:$0x1] =	wrdreg $0xFFFFFFFF  }
0x1f: {  	s28 =	simm.s32 $_size_execute0_lowered;
	s3 =	sadd.s32 s3, s5;
	[dreg:$0x0] =	wrdreg $0x0  }
0x20: {  	s5 =	sshll.u32 s28, $0x1;
	[dreg:$0x2] =	wrdreg s3  }
0x21: {  	[dreg:$0x3] =	wrdreg s5  }
0x22: {  	[dreg:$0x4] =	wrdreg $0xC0  }
0x23: {  	_ =	task [dreg:s7], $0x5FFFF  }
0x24: {  	[dreg:$0x1] =	wrdreg $0xFFFFFFFF  }
0x25: {  	[dreg:$0x0] =	wrdreg $0x60  }
0x26: {  	[dreg:$0x2] =	wrdreg s25  }
0x27: {  	[dreg:$0x3] =	wrdreg s2  }
0x28: {  	[dreg:$0x4] =	wrdreg $0x9  }
0x29: {  	_ =	task.clear_ibuf [dreg:s7], $0x5FFFF;
	_ =	strace $0x90000049  }
0x2a: {  	s29 =	simm.s32 $0x9;
	_ =	strace $0x8000004B  }
0x2b: {  	_ =	swait.ge [sflag:s29], $0x1  }
0x2c: {  	[sflag:s29] =	ssyncadd.s32 $0xFFFFFFFF  }
0x2d: {  	_ =	strace $0x9000004B  }
0x2e: {  	_ =	sfence  }
0x2f: {  	s30 =	sld [smem:$0x0];
	_ =	sdelay $0x2  }
0x30: {  	s31 =	sshll.u32 s1, $0xD;
	s1 =	sshrl.u32 s1, $0x2  }
0x31: {  	s3 =	sand.u32 $0x4000, s31;
	s1 =	sadd.s32 s1, s30  }
0x32: {  	s0 =	sor.u32 s3, s0;
	s1 =	sshll.u32 s1, $0x11  }
0x33: {  	s0 =	sor.u32 s1, s0  }
0x34: {  	s0 =	sadd.s32 $0x8F2B, s0  }
0x35: {  	[sflag:s0] =	ssyncadd.remote.s32 $0x1  }
0x36: {  	_ =	sfence.sel $0xFFFF  }
0x37: {  	[dreg:$0x0] =	wrdreg $0xFFFFFFFF;
	(pc) =	sbr.abs _section_cstart, $3  }
0x38: {  	[dreg:$0x1] =	wrdreg $0xFFFFFFFF  }
0x39: {  	_ =	task.clear_ibuf [dreg:s7], $0x2FFFF;
	_ =	strace $0x9FFFFFFF  }
0x3a: {  	(tm) =	ssettm $0x7FFFFFFF  }
0x3b: {  	_ =	shalt  }
tec
execute0_lowered:
.L_overlay_start_1:
0x0: {  	(tag) =	ssettag $0x1  }
0x1: {  	s0 =	srdreg.scid  }
0x2: {  	s1 =	sshll.u32 s0, $0x4  }
0x3: {  	s0 =	stileid.u32;
	s1 =	sand.u32 $0x10, s1  }
0x4: {  	s1 =	sor.u32 s0, s1  }
0x5: {  	s6 =	rddreg [dreg:$0x0];
	s4 =	simm.s32 $0x1;
	s2 =	sshll.u32 s1, $0x7  }
0x6: {  	s7 =	simm.s32 $0x2;
	s12 =	simm.s32 $0x0;
	s1 =	ssub.s32 $0x1000, s2  }
0x7: {  	s8 =	simm.s32 $0x8000;
	s13 =	simm.s32 $0x0;
	s3 =	sand.u32 $0xF80, s1  }
0x8: {  	s9 =	simm.s32 $0x0;
	s5 =	sshrl.u32 s1, $0xC;
	p0 =	sne.s32 s3, $0x0  }
.Ltmp0:
0x9: {  	s1 =	rddreg [dreg:$0x2];
	s4 =	simm.s32 @!p0 $0x0;
	(pc) =	sbr.rel .LBB1_1-.Ltmp0, $4  }
0xa: {  	s11 =	simm.s32 $0x0;
	s3 =	rddreg [dreg:$0x1];
	s5 =	sadd.s32 s4, s5  }
0xb: {  	_ =	strace $0x8000004A;
	s4 =	simm.s32 $0x1;
	s5 =	smul.u32 $0xC8, s5  }
0xc: {  	s6 =	sadd.s32 $0xC00, s6;
	s10 =	smov.u32 s2;
	[sflag:s4] =	ssyncpa.u1 $0x0  }
0xd: {  	p0 =	por $0x0, $0x0;
	[sflag:s7] =	ssyncpa.u1 $0x0;
	s7 =	sor.u32 $0x1, s5  }
.LBB1_4:
0xe: {  	s16 =	sshll.u32 s13, $0x3;
	s17 =	sand.u32 $0x78, s13  }
0xf: {  	s30 =	sand.u32 $0x7E00, s13;
	s12 =	sshll.u32 s12, $0xF;
	s16 =	sand.u32 $0xC00, s16  }
0x10: {  	[tilespmem:s15+$0x810 ss:$0x81] =	vst.msk $0xffff, v2;
	s31 =	sand.u32 $0x7, s13;
	s16 =	sor.u32 s17, s16;
	s17 =	sadd.s32 s3, s30  }
0x11: {  	[tilespmem:s15+$0x1020 ss:$0x81] =	vst.msk $0xffff, v0;
	s13 =	sshll.u32 s31, $0x12;
	s12 =	sadd.s32 s12, s17;
	s16 =	sshrl.u32 s16, $0x3  }
0x12: {  	[tilespmem:s15+$0x0 ss:$0x81] =	vst.msk $0xffff, v1;
	s13 =	sor.u32 $0x400, s13;
	s12 =	sadd.s32 s16, s12  }
0x13: {  	[hbm4b:s12+s13] =	stream.strided.scatter [tilespmem:s14], [sflag:$0x2], $0x2000, s8, s13, $0x20;
	[tilespmem:$0x8080] =	vst v63  }
.LBB1_5:
0x14: {  	s14 =	sadd.s32 $0x1, s9  }
0x15: {  	s12 =	sadd.s32 $0x1000, s10;
	s16 =	smov.u32 s10;
	p2 =	sgt.s32 s14, $0xC7  }
0x16: {  	s16 =	smov.u32 @p2 s12  }
0x17: {  	s14 =	simm.s32 @p2 $0x0;
	p2 =	sgt.s32 s16, $0xFFF  }
0x18: {  	s16 =	smov.u32 @p2 s2;
	p2 =	sne.s32 s11, s7  }
.Ltmp1:
0x19: {  	p1 =	slt.u32 s11, $0x2;
	(pc) =	sbr.rel @!p2 .LBB1_6-.Ltmp1, $4  }
0x1a: {  	s15 =	simm.s32 @!p1 $0x2  }
0x1b: {  	s13 =	smov.u32 s10;
	p0 =	por !p0, !p0;
	_ =	swait.ge @!p1 [sflag:s15], $0x2000  }
0x1c: {  	s12 =	smov.u32 s9;
	[sflag:s15] =	ssyncset.done @!p1 $0x0;
	s9 =	smov.u32 s14  }
0x1d: {  	s11 =	sadd.s32 $0x1, s11;
	[sflag:s15] =	ssyncadd.s32 @!p1 $0xFFFFE000;
	s10 =	smov.u32 s16  }
.LBB1_1:
0x1e: {  	p1 =	sge.u32 s11, s5  }
0x1f: {  	s14 =	sand.u32 @!p1 $0x1FFFFFF, s9  }
0x20: {  	s15 =	smulhi.u32 @!p1 $0x147AE15, s14;
	_ =	sdelay $0x1  }
0x21: {  	s15 =	smul.u32 @!p1 $0xC8, s15  }
0x22: {  	s16 =	sxor.u32 @!p1 $0xFFFFFFFF, s11;
	s17 =	smul.u32 @!p1 $0xC80, s10  }
0x23: {  	s31 =	sadd.s32 $0xFFFFFFFF, s11;
	s16 =	sshll.u32 @!p1 s16, $0xD;
	s14 =	ssub.s32 @!p1 s14, s15  }
0x24: {  	s15 =	sand.u32 @!p1 $0x2000, s16;
	s16 =	sadd.s32 @!p1 s6, s17;
	s14 =	sshll.u32 @!p1 s14, $0x4  }
0x25: {  	s17 =	simm.s32 @!p1 $0x6400;
	s14 =	sadd.s32 @!p1 s14, s16;
	s16 =	simm.s32 @!p1 $0x40  }
0x26: {  	[tilespmem:s15], [sflag:$0x1] =	stream.strided.gather @!p1 [hbm4b:s14+s16], $0x2000, s17, s16, $0x38;
	[tilespmem:$0x8080] =	vst v63  }
0x27: {  	p1 =	sge.u32 s31, s5  }
.Ltmp2:
0x28: {  	_ = 	snop;
	(pc) =	sbr.rel @p1 .LBB1_5-.Ltmp2, $1  }
0x29: {  	_ =	sdelay $0x3  }
0x2a: {  	s14 =	simm.s32 $0x1  }
0x2b: {  	_ =	swait.ge [sflag:s4], $0x2000;
	s14 =	simm.s32 @!p0 $0x0  }
0x2c: {  	[sflag:s4] =	ssyncset.done $0x0;
	s15 =	sshll.u32 s14, $0xD  }
0x2d: {  	[sflag:s4] =	ssyncadd.s32 $0xFFFFE000;
	s18 =	sor.u32 $0x20, s15  }
0x2e: {  	s14 =	smul.u32 $0x8100, s14;
	v3 =	vld [tilespmem:s18+$0x10]  }
0x2f: {  	s30 =	sand.u32 $0x1, s11;
	v2 =	vld [tilespmem:s18+$0xFFFFFFF0]  }
0x30: {  	s15 =	smul.u32 $0x8100, s30;
	s14 =	sshrl.u32 s14, $0x2;
	v0 =	vld [tilespmem:s18+$0x0]  }
0x31: {  	v1 =	vld [tilespmem:s18+$0xFFFFFFE0];
	s16 =	sor.u32 $0x4000, s14  }
0x32: {  	s31 =	sshrl.u32 s15, $0x2;
	s15 =	sadd.s32 $0x0, s16  }
0x33: {  	s17 =	simm.s32 $0x4;
	s18 =	sadd.s32 $0x40, s18;
	s14 =	sor.u32 $0x4000, s31;
	[tilespmem:s15+$0x1830 ss:$0x81] =	vst.msk $0xffff, v3  }
.LBB1_3:
0x34: {  	v3 =	vld [tilespmem:s18+$0x10];
	p1 =	sne.s32 s17, $0x1FC;
	[tilespmem:s15+$0x810 ss:$0x81] =	vst.msk $0xffff, v2;
	s19 =	smov.u32 s17;
	s17 =	sadd.s32 $0x4, s17  }
.Ltmp3:
0x35: {  	v2 =	vld [tilespmem:s18+$0xFFFFFFF0];
	[tilespmem:s15+$0x1020 ss:$0x81] =	vst.msk $0xffff, v0;
	(pc) =	sbr.rel @p1 .LBB1_3-.Ltmp3, $4  }
0x36: {  	v0 =	vld [tilespmem:s18+$0x0];
	[tilespmem:s15+$0x0 ss:$0x81] =	vst.msk $0xffff, v1  }
0x37: {  	s15 =	sshra.s32 s19, $0x2;
	v1 =	vld [tilespmem:s18+$0xFFFFFFE0]  }
0x38: {  	s15 =	sadd.s32 s15, s16  }
0x39: {  	s18 =	sadd.s32 $0x40, s18;
	[tilespmem:s15+$0x1830 ss:$0x81] =	vst.msk $0xffff, v3  }
.Ltmp4:
0x3a: {  	_ = 	snop;
	(pc) =	sbr.rel .LBB1_4-.Ltmp4, $1  }
0x3b: {  	_ =	sdelay $0x3  }
.LBB1_6:
0x3c: {  	_ =	sfence.sel $0x180000  }
0x3d: {  	s2 =	simm.s32 $0x1;
	[bflag:$0x0] =	sbarrier.arrive $0xFFFF  }
0x3e: {  	s31 =	simm.s32 $0x2;
	[sflag:s2] =	ssyncpa.u1 $0x1  }
0x3f: {  	[sflag:s31] =	ssyncpa.u1 $0x1  }
0x40: {  	p0 =	sne.s32 s0, $0x0;
	_ =	strace $0x9000004A  }
0x41: {  	s0 =	sadd.s32 @!p0 $0x100000, s1;
	[bflag:$0x2] =	sbarrier.arrive $0xFFFF  }
0x42: {  	[sflag:s0] =	ssyncadd.tile.s32 @!p0 $0x1;
	_ =	shalt  }
.Lfunc_end1:
_tile_overlayer_lowered:
.L_overlay_start_2:
0x43: {  	(tag) =	ssettag $0x2  }
0x44: {  	s0 =	rddreg [dreg:$0x0];
	s2 =	stileid.u32  }
0x45: {  	s1 =	rddreg [dreg:$0x1];
	p0 =	sne.s32 s2, $0x0  }
0x46: {  	s3 =	rddreg [dreg:$0x2];
	[bflag:$0x3] =	sbarrier.arrive $0xFFFF;
	s2 =	simm.s32 @!p0 $0x1C01  }
0x47: {  	[timem:s3], [sflag:s2] =	dma.local @!p0 [hbm:s0], s1  }
0x48: {  	s0 =	simm.s32 @!p0 $0x1  }
0x49: {  	_ =	swait.ge @!p0 [sflag:s0], s1  }
0x4a: {  	s1 =	ssub.s32 @!p0 $0x0, s1;
	[sflag:s0] =	ssyncset.done @!p0 $0x0  }
0x4b: {  	[sflag:s0] =	ssyncadd.s32 @!p0 s1  }
0x4c: {  	[bflag:$0x3] =	sbarrier.arrive $0xFFFF  }
0x4d: {  	_ =	shalt  }

</sc_bundles>
